<compile_context>
chip_gen: v7x
topology: tpu7x:2x2x1
jax: 0.10.2.dev20260603
libtpu: 0.0.44.dev20260713+nightly
codegen_flags: <defaults>
</compile_context>

<pallas_src>
import functools

import jax
import jax.numpy as jnp
from jax import lax
from jax.experimental import pallas as pl
from jax.experimental.pallas import tpu as pltpu
from jax.experimental.pallas import tpu_sc as plsc

_VOCAB = 100000
_D = 128
_B = 4096
_F = 26
_N = _B * _F
_NC = 2
_NS = 16
_NW = _NC * _NS
_PER_W = _N // _NW
_CHUNK = 128
_NCHUNK = _PER_W // _CHUNK
_STEP = 2 * _CHUNK
_NSTEP = _NCHUNK // 2


def _make_gather():
  mesh = plsc.VectorSubcoreMesh(core_axis_name="c", subcore_axis_name="s")

  @functools.partial(
      pl.kernel,
      mesh=mesh,
      out_type=jax.ShapeDtypeStruct((_N, _D), jnp.float32),
      scratch_types=[
          pltpu.VMEM((_NCHUNK, _CHUNK), jnp.int32),
          pltpu.VMEM((_NCHUNK, _CHUNK), jnp.int32),
          pltpu.VMEM((_STEP, _D), jnp.float32),
          pltpu.VMEM((_STEP, _D), jnp.float32),
          pltpu.VMEM((_STEP, _D), jnp.float32),
          pltpu.SemaphoreType.DMA,
          pltpu.SemaphoreType.DMA,
          pltpu.SemaphoreType.DMA,
          pltpu.SemaphoreType.DMA,
          pltpu.SemaphoreType.DMA,
          pltpu.SemaphoreType.DMA,
      ],
  )
  def gather_kernel(table_hbm, idx_hbm, oidx_hbm, out_hbm, idx_v, oidx_v,
                    buf_a, buf_b, buf_c, ga, gb, gc, wa, wsb, wc):
    wid = lax.axis_index("s") * _NC + lax.axis_index("c")
    pltpu.sync_copy(idx_hbm.at[wid], idx_v)
    pltpu.sync_copy(oidx_hbm.at[wid], oidx_v)

    def g_start(step, buf, sem):
      c0 = 2 * step
      pltpu.async_copy(
          table_hbm.at[idx_v.at[c0]], buf.at[pl.ds(0, _CHUNK)], sem)
      pltpu.async_copy(
          table_hbm.at[idx_v.at[c0 + 1]], buf.at[pl.ds(_CHUNK, _CHUNK)], sem)

    def g_wait(step, buf, sem):
      c0 = 2 * step
      pltpu.make_async_copy(
          table_hbm.at[idx_v.at[c0]], buf.at[pl.ds(0, _CHUNK)], sem).wait()
      pltpu.make_async_copy(
          table_hbm.at[idx_v.at[c0 + 1]], buf.at[pl.ds(_CHUNK, _CHUNK)],
          sem).wait()

    def w_start(step, buf, sem):
      c0 = 2 * step
      pltpu.async_copy(
          buf.at[pl.ds(0, _CHUNK)], out_hbm.at[oidx_v.at[c0]], sem)
      pltpu.async_copy(
          buf.at[pl.ds(_CHUNK, _CHUNK)], out_hbm.at[oidx_v.at[c0 + 1]], sem)

    def w_wait(step, buf, sem):
      c0 = 2 * step
      pltpu.make_async_copy(
          buf.at[pl.ds(0, _CHUNK)], out_hbm.at[oidx_v.at[c0]], sem).wait()
      pltpu.make_async_copy(
          buf.at[pl.ds(_CHUNK, _CHUNK)], out_hbm.at[oidx_v.at[c0 + 1]],
          sem).wait()

    sets = ((buf_a, ga, wa), (buf_b, gb, wsb), (buf_c, gc, wc))

    def stage(j, cur, nxt, last):
      g_wait(j, cur[0], cur[1])
      w_start(j, cur[0], cur[2])
      w_wait(j - 1, nxt[0], nxt[2])
      if not last:
        g_start(j + 2, nxt[0], nxt[1])

    g_start(0, sets[0][0], sets[0][1])
    g_start(1, sets[1][0], sets[1][1])
    g_wait(0, sets[0][0], sets[0][1])
    w_start(0, sets[0][0], sets[0][2])
    g_start(2, sets[2][0], sets[2][1])
    stage(1, sets[1], sets[0], False)

    def body(i, carry):
      j0 = 2 + 3 * i
      stage(j0, sets[2], sets[1], False)
      stage(j0 + 1, sets[0], sets[2], False)
      stage(j0 + 2, sets[1], sets[0], False)
      return carry

    lax.fori_loop(0, (_NSTEP - 4) // 3, body, 0)

    stage(11, sets[2], sets[1], True)
    stage(12, sets[0], sets[2], True)
    w_wait(12, sets[0][0], sets[0][2])

  return gather_kernel


_gather = _make_gather()


def kernel(input_batch, table):
  idx3 = input_batch.T.reshape(_NW, _NCHUNK, _CHUNK)
  oidx3 = jnp.arange(_N, dtype=jnp.int32).reshape(_NW, _NCHUNK, _CHUNK)
  out = _gather(table, idx3, oidx3)
  return out.reshape(_F, _B, _D).transpose(1, 0, 2)

# --- scband reference (transcript-rebuilt; emitter-appended) ---
"""Pipeline reference for scband-lookup-network-83726092469041 (READ-ONLY COPY).

The authoritative reference and input builder live on the scoring server;
editing this copy changes nothing except your own understanding.
"""

import jax, jax.numpy as jnp
import numpy as np

VOCAB = 100000
EMBED_DIM = 128
BATCH = 4096
FIELDS = 26
NO_LABEL_IDX = -1


def setup_inputs(seed: int = 0) -> dict:
    key = jax.random.key(seed)
    k1, k2 = jax.random.split(key)
    input_batch = jax.random.randint(k1, (BATCH, FIELDS), 0, VOCAB, dtype=jnp.int32)
    # learned parameter: embedding table (nn.Embedding default init ~ N(0,1))
    table = jax.random.normal(k2, (VOCAB, EMBED_DIM), dtype=jnp.float32)
    return {"input_batch": input_batch, "table": table}


def reference(input_batch, table):
    # Faithful vectorized translation of the per-element Python loop:
    # for each idx: zeros(embedding_dim) if idx == no_label_idx else table[idx]
    safe_idx = jnp.clip(input_batch, 0, table.shape[0] - 1)
    emb = jnp.take(table, safe_idx, axis=0)  # [B, L, D] gather
    mask = (input_batch == NO_LABEL_IDX)[..., None]
    out = jnp.where(mask, jnp.zeros((), dtype=emb.dtype), emb)
    return out

if __name__ == "__main__":
    import jax
    _d = setup_inputs()
    print(jax.jit(kernel)(*tuple(_d.values())))

</pallas_src>

<mosaic_0001>
#map = affine_map<(d0, d1) -> (0, 0)>
#map1 = affine_map<(d0, d1) -> (0, 0, 0)>
module attributes {stable_mosaic.version = 14 : i64} {
  func.func @gather_kernel(%arg0: i32, %arg1: i32, %arg2: memref<100000x128xf32, #tpu.memory_space<hbm>>, %arg3: memref<32x26x128xi32, #tpu.memory_space<hbm>>, %arg4: memref<32x26x128xi32, #tpu.memory_space<hbm>>, %arg5: memref<106496x128xf32, #tpu.memory_space<hbm>>, %arg6: memref<26x128xi32, #tpu.memory_space<vmem>>, %arg7: memref<26x128xi32, #tpu.memory_space<vmem>>, %arg8: memref<256x128xf32, #tpu.memory_space<vmem>>, %arg9: memref<256x128xf32, #tpu.memory_space<vmem>>, %arg10: memref<256x128xf32, #tpu.memory_space<vmem>>, %arg11: memref<!tpu.dma_semaphore, #tpu.memory_space<semaphore_mem>>, %arg12: memref<!tpu.dma_semaphore, #tpu.memory_space<semaphore_mem>>, %arg13: memref<!tpu.dma_semaphore, #tpu.memory_space<semaphore_mem>>, %arg14: memref<!tpu.dma_semaphore, #tpu.memory_space<semaphore_mem>>, %arg15: memref<!tpu.dma_semaphore, #tpu.memory_space<semaphore_mem>>, %arg16: memref<!tpu.dma_semaphore, #tpu.memory_space<semaphore_mem>>) attributes {dimension_semantics = [#tpu.dimension_semantics<core_parallel>, #tpu.dimension_semantics<subcore_parallel>], iteration_bounds = array<i64: 2, 16>, scalar_prefetch = 0 : i64, scratch_operands = 11 : i64, tpu.core_type = #tpu.core_type<sc_vector_subcore>, window_params = [{transform_indices = #map}, {transform_indices = #map1}, {transform_indices = #map1}, {transform_indices = #map}]} {
    %mul3A = arith.constant 2 : i32
    %mul3A_0 = arith.muli %arg1, %mul3A : i32
    %add3A = arith.addi %mul3A_0, %arg0 : i32
    "tpu.region"() ({
      %run_scoped3A = tpu.sem_alloc : memref<!tpu.dma_semaphore, #tpu.memory_space<semaphore_mem>>
      %dma_start3A_324 = arith.constant 0 : i32
      %dma_start3A_325 = arith.constant 0 : i32
      %dma_start3A_326 = tpu.memref_slice %arg3[%add3A, %dma_start3A_324, %dma_start3A_325] : memref<32x26x128xi32, #tpu.memory_space<hbm>> -> memref<1x26x128xi32, #tpu.memory_space<hbm>>
      %dma_start3A_327 = tpu.memref_squeeze %dma_start3A_326 : memref<1x26x128xi32, #tpu.memory_space<hbm>> -> memref<26x128xi32, #tpu.memory_space<hbm>>
      %dma_start3A_328 = arith.constant 0 : i32
      %dma_start3A_329 = arith.constant 0 : i32
      %dma_start3A_330 = tpu.memref_slice %arg3[%add3A, %dma_start3A_328, %dma_start3A_329] : memref<32x26x128xi32, #tpu.memory_space<hbm>> -> memref<1x26x128xi32, #tpu.memory_space<hbm>>
      %dma_start3A_331 = tpu.memref_squeeze %dma_start3A_330 : memref<1x26x128xi32, #tpu.memory_space<hbm>> -> memref<26x128xi32, #tpu.memory_space<hbm>>
      tpu.enqueue_dma source(%dma_start3A_331 : memref<26x128xi32, #tpu.memory_space<hbm>>) target(%arg6 : memref<26x128xi32, #tpu.memory_space<vmem>>) target_semaphore(%run_scoped3A : memref<!tpu.dma_semaphore, #tpu.memory_space<semaphore_mem>>)
      %dma_wait3A_332 = arith.constant 0 : i32
      %dma_wait3A_333 = arith.constant 0 : i32
      %dma_wait3A_334 = tpu.memref_slice %arg3[%add3A, %dma_wait3A_332, %dma_wait3A_333] : memref<32x26x128xi32, #tpu.memory_space<hbm>> -> memref<1x26x128xi32, #tpu.memory_space<hbm>>
      %dma_wait3A_335 = tpu.memref_squeeze %dma_wait3A_334 : memref<1x26x128xi32, #tpu.memory_space<hbm>> -> memref<26x128xi32, #tpu.memory_space<hbm>>
      %dma_wait3A_336 = arith.constant 0 : i32
      %dma_wait3A_337 = arith.constant 0 : i32
      %dma_wait3A_338 = tpu.memref_slice %arg3[%add3A, %dma_wait3A_336, %dma_wait3A_337] : memref<32x26x128xi32, #tpu.memory_space<hbm>> -> memref<1x26x128xi32, #tpu.memory_space<hbm>>
      %dma_wait3A_339 = tpu.memref_squeeze %dma_wait3A_338 : memref<1x26x128xi32, #tpu.memory_space<hbm>> -> memref<26x128xi32, #tpu.memory_space<hbm>>
      tpu.wait_dma2 semaphore(%run_scoped3A : memref<!tpu.dma_semaphore, #tpu.memory_space<semaphore_mem>>) src(%dma_wait3A_339 : memref<26x128xi32, #tpu.memory_space<hbm>>) dst(%arg6 : memref<26x128xi32, #tpu.memory_space<vmem>>)
      tpu.yield
    }) : () -> ()
    "tpu.region"() ({
      %run_scoped3A = tpu.sem_alloc : memref<!tpu.dma_semaphore, #tpu.memory_space<semaphore_mem>>
      %dma_start3A_324 = arith.constant 0 : i32
      %dma_start3A_325 = arith.constant 0 : i32
      %dma_start3A_326 = tpu.memref_slice %arg4[%add3A, %dma_start3A_324, %dma_start3A_325] : memref<32x26x128xi32, #tpu.memory_space<hbm>> -> memref<1x26x128xi32, #tpu.memory_space<hbm>>
      %dma_start3A_327 = tpu.memref_squeeze %dma_start3A_326 : memref<1x26x128xi32, #tpu.memory_space<hbm>> -> memref<26x128xi32, #tpu.memory_space<hbm>>
      %dma_start3A_328 = arith.constant 0 : i32
      %dma_start3A_329 = arith.constant 0 : i32
      %dma_start3A_330 = tpu.memref_slice %arg4[%add3A, %dma_start3A_328, %dma_start3A_329] : memref<32x26x128xi32, #tpu.memory_space<hbm>> -> memref<1x26x128xi32, #tpu.memory_space<hbm>>
      %dma_start3A_331 = tpu.memref_squeeze %dma_start3A_330 : memref<1x26x128xi32, #tpu.memory_space<hbm>> -> memref<26x128xi32, #tpu.memory_space<hbm>>
      tpu.enqueue_dma source(%dma_start3A_331 : memref<26x128xi32, #tpu.memory_space<hbm>>) target(%arg7 : memref<26x128xi32, #tpu.memory_space<vmem>>) target_semaphore(%run_scoped3A : memref<!tpu.dma_semaphore, #tpu.memory_space<semaphore_mem>>)
      %dma_wait3A_332 = arith.constant 0 : i32
      %dma_wait3A_333 = arith.constant 0 : i32
      %dma_wait3A_334 = tpu.memref_slice %arg4[%add3A, %dma_wait3A_332, %dma_wait3A_333] : memref<32x26x128xi32, #tpu.memory_space<hbm>> -> memref<1x26x128xi32, #tpu.memory_space<hbm>>
      %dma_wait3A_335 = tpu.memref_squeeze %dma_wait3A_334 : memref<1x26x128xi32, #tpu.memory_space<hbm>> -> memref<26x128xi32, #tpu.memory_space<hbm>>
      %dma_wait3A_336 = arith.constant 0 : i32
      %dma_wait3A_337 = arith.constant 0 : i32
      %dma_wait3A_338 = tpu.memref_slice %arg4[%add3A, %dma_wait3A_336, %dma_wait3A_337] : memref<32x26x128xi32, #tpu.memory_space<hbm>> -> memref<1x26x128xi32, #tpu.memory_space<hbm>>
      %dma_wait3A_339 = tpu.memref_squeeze %dma_wait3A_338 : memref<1x26x128xi32, #tpu.memory_space<hbm>> -> memref<26x128xi32, #tpu.memory_space<hbm>>
      tpu.wait_dma2 semaphore(%run_scoped3A : memref<!tpu.dma_semaphore, #tpu.memory_space<semaphore_mem>>) src(%dma_wait3A_339 : memref<26x128xi32, #tpu.memory_space<hbm>>) dst(%arg7 : memref<26x128xi32, #tpu.memory_space<vmem>>)
      tpu.yield
    }) : () -> ()
    %dma_start3A = arith.constant 0 : i32
    %dma_start3A_1 = arith.constant 0 : i32
    %dma_start3A_2 = arith.constant 0 : i32
    %dma_start3A_3 = tpu.memref_slice %arg8[%dma_start3A_1, %dma_start3A_2] : memref<256x128xf32, #tpu.memory_space<vmem>> -> memref<128x128xf32, #tpu.memory_space<vmem>>
    %dma_start3A_4 = arith.constant 0 : i32
    %dma_start3A_5 = tpu.memref_slice %arg6[%dma_start3A, %dma_start3A_4] : memref<26x128xi32, #tpu.memory_space<vmem>> -> memref<1x128xi32, #tpu.memory_space<vmem>>
    %dma_start3A_6 = tpu.memref_squeeze %dma_start3A_5 : memref<1x128xi32, #tpu.memory_space<vmem>> -> memref<128xi32, #tpu.memory_space<vmem>>
    %dma_start3A_7 = arith.constant 0 : i32
    %dma_start3A_8 = arith.constant 0 : i32
    %dma_start3A_9 = tpu.memref_slice %arg2[%dma_start3A_7, %dma_start3A_8] : memref<100000x128xf32, #tpu.memory_space<hbm>> -> memref<100000x128xf32, #tpu.memory_space<hbm>>
    tpu.enqueue_indirect_dma source(%dma_start3A_9 : memref<100000x128xf32, #tpu.memory_space<hbm>>) target(%dma_start3A_3 : memref<128x128xf32, #tpu.memory_space<vmem>>) offsets(%dma_start3A_6 : memref<128xi32, #tpu.memory_space<vmem>>) semaphore(%arg11 : memref<!tpu.dma_semaphore, #tpu.memory_space<semaphore_mem>>)
    %dma_start3A_10 = arith.constant 1 : i32
    %dma_start3A_11 = arith.constant 128 : i32
    %dma_start3A_12 = arith.constant 0 : i32
    %dma_start3A_13 = tpu.memref_slice %arg8[%dma_start3A_11, %dma_start3A_12] : memref<256x128xf32, #tpu.memory_space<vmem>> -> memref<128x128xf32, #tpu.memory_space<vmem>>
    %dma_start3A_14 = arith.constant 0 : i32
    %dma_start3A_15 = tpu.memref_slice %arg6[%dma_start3A_10, %dma_start3A_14] : memref<26x128xi32, #tpu.memory_space<vmem>> -> memref<1x128xi32, #tpu.memory_space<vmem>>
    %dma_start3A_16 = tpu.memref_squeeze %dma_start3A_15 : memref<1x128xi32, #tpu.memory_space<vmem>> -> memref<128xi32, #tpu.memory_space<vmem>>
    %dma_start3A_17 = arith.constant 0 : i32
    %dma_start3A_18 = arith.constant 0 : i32
    %dma_start3A_19 = tpu.memref_slice %arg2[%dma_start3A_17, %dma_start3A_18] : memref<100000x128xf32, #tpu.memory_space<hbm>> -> memref<100000x128xf32, #tpu.memory_space<hbm>>
    tpu.enqueue_indirect_dma source(%dma_start3A_19 : memref<100000x128xf32, #tpu.memory_space<hbm>>) target(%dma_start3A_13 : memref<128x128xf32, #tpu.memory_space<vmem>>) offsets(%dma_start3A_16 : memref<128xi32, #tpu.memory_space<vmem>>) semaphore(%arg11 : memref<!tpu.dma_semaphore, #tpu.memory_space<semaphore_mem>>)
    %dma_start3A_20 = arith.constant 2 : i32
    %dma_start3A_21 = arith.constant 0 : i32
    %dma_start3A_22 = arith.constant 0 : i32
    %dma_start3A_23 = tpu.memref_slice %arg9[%dma_start3A_21, %dma_start3A_22] : memref<256x128xf32, #tpu.memory_space<vmem>> -> memref<128x128xf32, #tpu.memory_space<vmem>>
    %dma_start3A_24 = arith.constant 0 : i32
    %dma_start3A_25 = tpu.memref_slice %arg6[%dma_start3A_20, %dma_start3A_24] : memref<26x128xi32, #tpu.memory_space<vmem>> -> memref<1x128xi32, #tpu.memory_space<vmem>>
    %dma_start3A_26 = tpu.memref_squeeze %dma_start3A_25 : memref<1x128xi32, #tpu.memory_space<vmem>> -> memref<128xi32, #tpu.memory_space<vmem>>
    %dma_start3A_27 = arith.constant 0 : i32
    %dma_start3A_28 = arith.constant 0 : i32
    %dma_start3A_29 = tpu.memref_slice %arg2[%dma_start3A_27, %dma_start3A_28] : memref<100000x128xf32, #tpu.memory_space<hbm>> -> memref<100000x128xf32, #tpu.memory_space<hbm>>
    tpu.enqueue_indirect_dma source(%dma_start3A_29 : memref<100000x128xf32, #tpu.memory_space<hbm>>) target(%dma_start3A_23 : memref<128x128xf32, #tpu.memory_space<vmem>>) offsets(%dma_start3A_26 : memref<128xi32, #tpu.memory_space<vmem>>) semaphore(%arg12 : memref<!tpu.dma_semaphore, #tpu.memory_space<semaphore_mem>>)
    %dma_start3A_30 = arith.constant 3 : i32
    %dma_start3A_31 = arith.constant 128 : i32
    %dma_start3A_32 = arith.constant 0 : i32
    %dma_start3A_33 = tpu.memref_slice %arg9[%dma_start3A_31, %dma_start3A_32] : memref<256x128xf32, #tpu.memory_space<vmem>> -> memref<128x128xf32, #tpu.memory_space<vmem>>
    %dma_start3A_34 = arith.constant 0 : i32
    %dma_start3A_35 = tpu.memref_slice %arg6[%dma_start3A_30, %dma_start3A_34] : memref<26x128xi32, #tpu.memory_space<vmem>> -> memref<1x128xi32, #tpu.memory_space<vmem>>
    %dma_start3A_36 = tpu.memref_squeeze %dma_start3A_35 : memref<1x128xi32, #tpu.memory_space<vmem>> -> memref<128xi32, #tpu.memory_space<vmem>>
    %dma_start3A_37 = arith.constant 0 : i32
    %dma_start3A_38 = arith.constant 0 : i32
    %dma_start3A_39 = tpu.memref_slice %arg2[%dma_start3A_37, %dma_start3A_38] : memref<100000x128xf32, #tpu.memory_space<hbm>> -> memref<100000x128xf32, #tpu.memory_space<hbm>>
    tpu.enqueue_indirect_dma source(%dma_start3A_39 : memref<100000x128xf32, #tpu.memory_space<hbm>>) target(%dma_start3A_33 : memref<128x128xf32, #tpu.memory_space<vmem>>) offsets(%dma_start3A_36 : memref<128xi32, #tpu.memory_space<vmem>>) semaphore(%arg12 : memref<!tpu.dma_semaphore, #tpu.memory_space<semaphore_mem>>)
    %dma_wait3A = arith.constant 0 : i32
    %dma_wait3A_40 = arith.constant 0 : i32
    %dma_wait3A_41 = arith.constant 0 : i32
    %dma_wait3A_42 = tpu.memref_slice %arg8[%dma_wait3A_40, %dma_wait3A_41] : memref<256x128xf32, #tpu.memory_space<vmem>> -> memref<128x128xf32, #tpu.memory_space<vmem>>
    %dma_wait3A_43 = arith.constant 0 : i32
    %dma_wait3A_44 = tpu.memref_slice %arg6[%dma_wait3A, %dma_wait3A_43] : memref<26x128xi32, #tpu.memory_space<vmem>> -> memref<1x128xi32, #tpu.memory_space<vmem>>
    %dma_wait3A_45 = tpu.memref_squeeze %dma_wait3A_44 : memref<1x128xi32, #tpu.memory_space<vmem>> -> memref<128xi32, #tpu.memory_space<vmem>>
    %dma_wait3A_46 = arith.constant 0 : i32
    %dma_wait3A_47 = arith.constant 0 : i32
    %dma_wait3A_48 = tpu.memref_slice %arg2[%dma_wait3A_46, %dma_wait3A_47] : memref<100000x128xf32, #tpu.memory_space<hbm>> -> memref<100000x128xf32, #tpu.memory_space<hbm>>
    tpu.wait_indirect_dma semaphore(%arg11 : memref<!tpu.dma_semaphore, #tpu.memory_space<semaphore_mem>>) src(%dma_wait3A_48 : memref<100000x128xf32, #tpu.memory_space<hbm>>) dst(%dma_wait3A_42 : memref<128x128xf32, #tpu.memory_space<vmem>>)
    %dma_wait3A_49 = arith.constant 1 : i32
    %dma_wait3A_50 = arith.constant 128 : i32
    %dma_wait3A_51 = arith.constant 0 : i32
    %dma_wait3A_52 = tpu.memref_slice %arg8[%dma_wait3A_50, %dma_wait3A_51] : memref<256x128xf32, #tpu.memory_space<vmem>> -> memref<128x128xf32, #tpu.memory_space<vmem>>
    %dma_wait3A_53 = arith.constant 0 : i32
    %dma_wait3A_54 = tpu.memref_slice %arg6[%dma_wait3A_49, %dma_wait3A_53] : memref<26x128xi32, #tpu.memory_space<vmem>> -> memref<1x128xi32, #tpu.memory_space<vmem>>
    %dma_wait3A_55 = tpu.memref_squeeze %dma_wait3A_54 : memref<1x128xi32, #tpu.memory_space<vmem>> -> memref<128xi32, #tpu.memory_space<vmem>>
    %dma_wait3A_56 = arith.constant 0 : i32
    %dma_wait3A_57 = arith.constant 0 : i32
    %dma_wait3A_58 = tpu.memref_slice %arg2[%dma_wait3A_56, %dma_wait3A_57] : memref<100000x128xf32, #tpu.memory_space<hbm>> -> memref<100000x128xf32, #tpu.memory_space<hbm>>
    tpu.wait_indirect_dma semaphore(%arg11 : memref<!tpu.dma_semaphore, #tpu.memory_space<semaphore_mem>>) src(%dma_wait3A_58 : memref<100000x128xf32, #tpu.memory_space<hbm>>) dst(%dma_wait3A_52 : memref<128x128xf32, #tpu.memory_space<vmem>>)
    %dma_start3A_59 = arith.constant 0 : i32
    %dma_start3A_60 = arith.constant 0 : i32
    %dma_start3A_61 = arith.constant 0 : i32
    %dma_start3A_62 = tpu.memref_slice %arg8[%dma_start3A_60, %dma_start3A_61] : memref<256x128xf32, #tpu.memory_space<vmem>> -> memref<128x128xf32, #tpu.memory_space<vmem>>
    %dma_start3A_63 = arith.constant 0 : i32
    %dma_start3A_64 = tpu.memref_slice %arg7[%dma_start3A_59, %dma_start3A_63] : memref<26x128xi32, #tpu.memory_space<vmem>> -> memref<1x128xi32, #tpu.memory_space<vmem>>
    %dma_start3A_65 = tpu.memref_squeeze %dma_start3A_64 : memref<1x128xi32, #tpu.memory_space<vmem>> -> memref<128xi32, #tpu.memory_space<vmem>>
    %dma_start3A_66 = arith.constant 0 : i32
    %dma_start3A_67 = arith.constant 0 : i32
    %dma_start3A_68 = tpu.memref_slice %arg5[%dma_start3A_66, %dma_start3A_67] : memref<106496x128xf32, #tpu.memory_space<hbm>> -> memref<106496x128xf32, #tpu.memory_space<hbm>>
    tpu.enqueue_indirect_dma source(%dma_start3A_62 : memref<128x128xf32, #tpu.memory_space<vmem>>) target(%dma_start3A_68 : memref<106496x128xf32, #tpu.memory_space<hbm>>) offsets(%dma_start3A_65 : memref<128xi32, #tpu.memory_space<vmem>>) semaphore(%arg14 : memref<!tpu.dma_semaphore, #tpu.memory_space<semaphore_mem>>)
    %dma_start3A_69 = arith.constant 1 : i32
    %dma_start3A_70 = arith.constant 128 : i32
    %dma_start3A_71 = arith.constant 0 : i32
    %dma_start3A_72 = tpu.memref_slice %arg8[%dma_start3A_70, %dma_start3A_71] : memref<256x128xf32, #tpu.memory_space<vmem>> -> memref<128x128xf32, #tpu.memory_space<vmem>>
    %dma_start3A_73 = arith.constant 0 : i32
    %dma_start3A_74 = tpu.memref_slice %arg7[%dma_start3A_69, %dma_start3A_73] : memref<26x128xi32, #tpu.memory_space<vmem>> -> memref<1x128xi32, #tpu.memory_space<vmem>>
    %dma_start3A_75 = tpu.memref_squeeze %dma_start3A_74 : memref<1x128xi32, #tpu.memory_space<vmem>> -> memref<128xi32, #tpu.memory_space<vmem>>
    %dma_start3A_76 = arith.constant 0 : i32
    %dma_start3A_77 = arith.constant 0 : i32
    %dma_start3A_78 = tpu.memref_slice %arg5[%dma_start3A_76, %dma_start3A_77] : memref<106496x128xf32, #tpu.memory_space<hbm>> -> memref<106496x128xf32, #tpu.memory_space<hbm>>
    tpu.enqueue_indirect_dma source(%dma_start3A_72 : memref<128x128xf32, #tpu.memory_space<vmem>>) target(%dma_start3A_78 : memref<106496x128xf32, #tpu.memory_space<hbm>>) offsets(%dma_start3A_75 : memref<128xi32, #tpu.memory_space<vmem>>) semaphore(%arg14 : memref<!tpu.dma_semaphore, #tpu.memory_space<semaphore_mem>>)
    %dma_start3A_79 = arith.constant 4 : i32
    %dma_start3A_80 = arith.constant 0 : i32
    %dma_start3A_81 = arith.constant 0 : i32
    %dma_start3A_82 = tpu.memref_slice %arg10[%dma_start3A_80, %dma_start3A_81] : memref<256x128xf32, #tpu.memory_space<vmem>> -> memref<128x128xf32, #tpu.memory_space<vmem>>
    %dma_start3A_83 = arith.constant 0 : i32
    %dma_start3A_84 = tpu.memref_slice %arg6[%dma_start3A_79, %dma_start3A_83] : memref<26x128xi32, #tpu.memory_space<vmem>> -> memref<1x128xi32, #tpu.memory_space<vmem>>
    %dma_start3A_85 = tpu.memref_squeeze %dma_start3A_84 : memref<1x128xi32, #tpu.memory_space<vmem>> -> memref<128xi32, #tpu.memory_space<vmem>>
    %dma_start3A_86 = arith.constant 0 : i32
    %dma_start3A_87 = arith.constant 0 : i32
    %dma_start3A_88 = tpu.memref_slice %arg2[%dma_start3A_86, %dma_start3A_87] : memref<100000x128xf32, #tpu.memory_space<hbm>> -> memref<100000x128xf32, #tpu.memory_space<hbm>>
    tpu.enqueue_indirect_dma source(%dma_start3A_88 : memref<100000x128xf32, #tpu.memory_space<hbm>>) target(%dma_start3A_82 : memref<128x128xf32, #tpu.memory_space<vmem>>) offsets(%dma_start3A_85 : memref<128xi32, #tpu.memory_space<vmem>>) semaphore(%arg13 : memref<!tpu.dma_semaphore, #tpu.memory_space<semaphore_mem>>)
    %dma_start3A_89 = arith.constant 5 : i32
    %dma_start3A_90 = arith.constant 128 : i32
    %dma_start3A_91 = arith.constant 0 : i32
    %dma_start3A_92 = tpu.memref_slice %arg10[%dma_start3A_90, %dma_start3A_91] : memref<256x128xf32, #tpu.memory_space<vmem>> -> memref<128x128xf32, #tpu.memory_space<vmem>>
    %dma_start3A_93 = arith.constant 0 : i32
    %dma_start3A_94 = tpu.memref_slice %arg6[%dma_start3A_89, %dma_start3A_93] : memref<26x128xi32, #tpu.memory_space<vmem>> -> memref<1x128xi32, #tpu.memory_space<vmem>>
    %dma_start3A_95 = tpu.memref_squeeze %dma_start3A_94 : memref<1x128xi32, #tpu.memory_space<vmem>> -> memref<128xi32, #tpu.memory_space<vmem>>
    %dma_start3A_96 = arith.constant 0 : i32
    %dma_start3A_97 = arith.constant 0 : i32
    %dma_start3A_98 = tpu.memref_slice %arg2[%dma_start3A_96, %dma_start3A_97] : memref<100000x128xf32, #tpu.memory_space<hbm>> -> memref<100000x128xf32, #tpu.memory_space<hbm>>
    tpu.enqueue_indirect_dma source(%dma_start3A_98 : memref<100000x128xf32, #tpu.memory_space<hbm>>) target(%dma_start3A_92 : memref<128x128xf32, #tpu.memory_space<vmem>>) offsets(%dma_start3A_95 : memref<128xi32, #tpu.memory_space<vmem>>) semaphore(%arg13 : memref<!tpu.dma_semaphore, #tpu.memory_space<semaphore_mem>>)
    %dma_wait3A_99 = arith.constant 2 : i32
    %dma_wait3A_100 = arith.constant 0 : i32
    %dma_wait3A_101 = arith.constant 0 : i32
    %dma_wait3A_102 = tpu.memref_slice %arg9[%dma_wait3A_100, %dma_wait3A_101] : memref<256x128xf32, #tpu.memory_space<vmem>> -> memref<128x128xf32, #tpu.memory_space<vmem>>
    %dma_wait3A_103 = arith.constant 0 : i32
    %dma_wait3A_104 = tpu.memref_slice %arg6[%dma_wait3A_99, %dma_wait3A_103] : memref<26x128xi32, #tpu.memory_space<vmem>> -> memref<1x128xi32, #tpu.memory_space<vmem>>
    %dma_wait3A_105 = tpu.memref_squeeze %dma_wait3A_104 : memref<1x128xi32, #tpu.memory_space<vmem>> -> memref<128xi32, #tpu.memory_space<vmem>>
    %dma_wait3A_106 = arith.constant 0 : i32
    %dma_wait3A_107 = arith.constant 0 : i32
    %dma_wait3A_108 = tpu.memref_slice %arg2[%dma_wait3A_106, %dma_wait3A_107] : memref<100000x128xf32, #tpu.memory_space<hbm>> -> memref<100000x128xf32, #tpu.memory_space<hbm>>
    tpu.wait_indirect_dma semaphore(%arg12 : memref<!tpu.dma_semaphore, #tpu.memory_space<semaphore_mem>>) src(%dma_wait3A_108 : memref<100000x128xf32, #tpu.memory_space<hbm>>) dst(%dma_wait3A_102 : memref<128x128xf32, #tpu.memory_space<vmem>>)
    %dma_wait3A_109 = arith.constant 3 : i32
    %dma_wait3A_110 = arith.constant 128 : i32
    %dma_wait3A_111 = arith.constant 0 : i32
    %dma_wait3A_112 = tpu.memref_slice %arg9[%dma_wait3A_110, %dma_wait3A_111] : memref<256x128xf32, #tpu.memory_space<vmem>> -> memref<128x128xf32, #tpu.memory_space<vmem>>
    %dma_wait3A_113 = arith.constant 0 : i32
    %dma_wait3A_114 = tpu.memref_slice %arg6[%dma_wait3A_109, %dma_wait3A_113] : memref<26x128xi32, #tpu.memory_space<vmem>> -> memref<1x128xi32, #tpu.memory_space<vmem>>
    %dma_wait3A_115 = tpu.memref_squeeze %dma_wait3A_114 : memref<1x128xi32, #tpu.memory_space<vmem>> -> memref<128xi32, #tpu.memory_space<vmem>>
    %dma_wait3A_116 = arith.constant 0 : i32
    %dma_wait3A_117 = arith.constant 0 : i32
    %dma_wait3A_118 = tpu.memref_slice %arg2[%dma_wait3A_116, %dma_wait3A_117] : memref<100000x128xf32, #tpu.memory_space<hbm>> -> memref<100000x128xf32, #tpu.memory_space<hbm>>
    tpu.wait_indirect_dma semaphore(%arg12 : memref<!tpu.dma_semaphore, #tpu.memory_space<semaphore_mem>>) src(%dma_wait3A_118 : memref<100000x128xf32, #tpu.memory_space<hbm>>) dst(%dma_wait3A_112 : memref<128x128xf32, #tpu.memory_space<vmem>>)
    %dma_start3A_119 = arith.constant 2 : i32
    %dma_start3A_120 = arith.constant 0 : i32
    %dma_start3A_121 = arith.constant 0 : i32
    %dma_start3A_122 = tpu.memref_slice %arg9[%dma_start3A_120, %dma_start3A_121] : memref<256x128xf32, #tpu.memory_space<vmem>> -> memref<128x128xf32, #tpu.memory_space<vmem>>
    %dma_start3A_123 = arith.constant 0 : i32
    %dma_start3A_124 = tpu.memref_slice %arg7[%dma_start3A_119, %dma_start3A_123] : memref<26x128xi32, #tpu.memory_space<vmem>> -> memref<1x128xi32, #tpu.memory_space<vmem>>
    %dma_start3A_125 = tpu.memref_squeeze %dma_start3A_124 : memref<1x128xi32, #tpu.memory_space<vmem>> -> memref<128xi32, #tpu.memory_space<vmem>>
    %dma_start3A_126 = arith.constant 0 : i32
    %dma_start3A_127 = arith.constant 0 : i32
    %dma_start3A_128 = tpu.memref_slice %arg5[%dma_start3A_126, %dma_start3A_127] : memref<106496x128xf32, #tpu.memory_space<hbm>> -> memref<106496x128xf32, #tpu.memory_space<hbm>>
    tpu.enqueue_indirect_dma source(%dma_start3A_122 : memref<128x128xf32, #tpu.memory_space<vmem>>) target(%dma_start3A_128 : memref<106496x128xf32, #tpu.memory_space<hbm>>) offsets(%dma_start3A_125 : memref<128xi32, #tpu.memory_space<vmem>>) semaphore(%arg15 : memref<!tpu.dma_semaphore, #tpu.memory_space<semaphore_mem>>)
    %dma_start3A_129 = arith.constant 3 : i32
    %dma_start3A_130 = arith.constant 128 : i32
    %dma_start3A_131 = arith.constant 0 : i32
    %dma_start3A_132 = tpu.memref_slice %arg9[%dma_start3A_130, %dma_start3A_131] : memref<256x128xf32, #tpu.memory_space<vmem>> -> memref<128x128xf32, #tpu.memory_space<vmem>>
    %dma_start3A_133 = arith.constant 0 : i32
    %dma_start3A_134 = tpu.memref_slice %arg7[%dma_start3A_129, %dma_start3A_133] : memref<26x128xi32, #tpu.memory_space<vmem>> -> memref<1x128xi32, #tpu.memory_space<vmem>>
    %dma_start3A_135 = tpu.memref_squeeze %dma_start3A_134 : memref<1x128xi32, #tpu.memory_space<vmem>> -> memref<128xi32, #tpu.memory_space<vmem>>
    %dma_start3A_136 = arith.constant 0 : i32
    %dma_start3A_137 = arith.constant 0 : i32
    %dma_start3A_138 = tpu.memref_slice %arg5[%dma_start3A_136, %dma_start3A_137] : memref<106496x128xf32, #tpu.memory_space<hbm>> -> memref<106496x128xf32, #tpu.memory_space<hbm>>
    tpu.enqueue_indirect_dma source(%dma_start3A_132 : memref<128x128xf32, #tpu.memory_space<vmem>>) target(%dma_start3A_138 : memref<106496x128xf32, #tpu.memory_space<hbm>>) offsets(%dma_start3A_135 : memref<128xi32, #tpu.memory_space<vmem>>) semaphore(%arg15 : memref<!tpu.dma_semaphore, #tpu.memory_space<semaphore_mem>>)
    %dma_wait3A_139 = arith.constant 0 : i32
    %dma_wait3A_140 = arith.constant 0 : i32
    %dma_wait3A_141 = arith.constant 0 : i32
    %dma_wait3A_142 = tpu.memref_slice %arg8[%dma_wait3A_140, %dma_wait3A_141] : memref<256x128xf32, #tpu.memory_space<vmem>> -> memref<128x128xf32, #tpu.memory_space<vmem>>
    %dma_wait3A_143 = arith.constant 0 : i32
    %dma_wait3A_144 = tpu.memref_slice %arg7[%dma_wait3A_139, %dma_wait3A_143] : memref<26x128xi32, #tpu.memory_space<vmem>> -> memref<1x128xi32, #tpu.memory_space<vmem>>
    %dma_wait3A_145 = tpu.memref_squeeze %dma_wait3A_144 : memref<1x128xi32, #tpu.memory_space<vmem>> -> memref<128xi32, #tpu.memory_space<vmem>>
    %dma_wait3A_146 = arith.constant 0 : i32
    %dma_wait3A_147 = arith.constant 0 : i32
    %dma_wait3A_148 = tpu.memref_slice %arg5[%dma_wait3A_146, %dma_wait3A_147] : memref<106496x128xf32, #tpu.memory_space<hbm>> -> memref<106496x128xf32, #tpu.memory_space<hbm>>
    tpu.wait_indirect_dma semaphore(%arg14 : memref<!tpu.dma_semaphore, #tpu.memory_space<semaphore_mem>>) src(%dma_wait3A_142 : memref<128x128xf32, #tpu.memory_space<vmem>>) dst(%dma_wait3A_148 : memref<106496x128xf32, #tpu.memory_space<hbm>>)
    %dma_wait3A_149 = arith.constant 1 : i32
    %dma_wait3A_150 = arith.constant 128 : i32
    %dma_wait3A_151 = arith.constant 0 : i32
    %dma_wait3A_152 = tpu.memref_slice %arg8[%dma_wait3A_150, %dma_wait3A_151] : memref<256x128xf32, #tpu.memory_space<vmem>> -> memref<128x128xf32, #tpu.memory_space<vmem>>
    %dma_wait3A_153 = arith.constant 0 : i32
    %dma_wait3A_154 = tpu.memref_slice %arg7[%dma_wait3A_149, %dma_wait3A_153] : memref<26x128xi32, #tpu.memory_space<vmem>> -> memref<1x128xi32, #tpu.memory_space<vmem>>
    %dma_wait3A_155 = tpu.memref_squeeze %dma_wait3A_154 : memref<1x128xi32, #tpu.memory_space<vmem>> -> memref<128xi32, #tpu.memory_space<vmem>>
    %dma_wait3A_156 = arith.constant 0 : i32
    %dma_wait3A_157 = arith.constant 0 : i32
    %dma_wait3A_158 = tpu.memref_slice %arg5[%dma_wait3A_156, %dma_wait3A_157] : memref<106496x128xf32, #tpu.memory_space<hbm>> -> memref<106496x128xf32, #tpu.memory_space<hbm>>
    tpu.wait_indirect_dma semaphore(%arg14 : memref<!tpu.dma_semaphore, #tpu.memory_space<semaphore_mem>>) src(%dma_wait3A_152 : memref<128x128xf32, #tpu.memory_space<vmem>>) dst(%dma_wait3A_158 : memref<106496x128xf32, #tpu.memory_space<hbm>>)
    %dma_start3A_159 = arith.constant 6 : i32
    %dma_start3A_160 = arith.constant 0 : i32
    %dma_start3A_161 = arith.constant 0 : i32
    %dma_start3A_162 = tpu.memref_slice %arg8[%dma_start3A_160, %dma_start3A_161] : memref<256x128xf32, #tpu.memory_space<vmem>> -> memref<128x128xf32, #tpu.memory_space<vmem>>
    %dma_start3A_163 = arith.constant 0 : i32
    %dma_start3A_164 = tpu.memref_slice %arg6[%dma_start3A_159, %dma_start3A_163] : memref<26x128xi32, #tpu.memory_space<vmem>> -> memref<1x128xi32, #tpu.memory_space<vmem>>
    %dma_start3A_165 = tpu.memref_squeeze %dma_start3A_164 : memref<1x128xi32, #tpu.memory_space<vmem>> -> memref<128xi32, #tpu.memory_space<vmem>>
    %dma_start3A_166 = arith.constant 0 : i32
    %dma_start3A_167 = arith.constant 0 : i32
    %dma_start3A_168 = tpu.memref_slice %arg2[%dma_start3A_166, %dma_start3A_167] : memref<100000x128xf32, #tpu.memory_space<hbm>> -> memref<100000x128xf32, #tpu.memory_space<hbm>>
    tpu.enqueue_indirect_dma source(%dma_start3A_168 : memref<100000x128xf32, #tpu.memory_space<hbm>>) target(%dma_start3A_162 : memref<128x128xf32, #tpu.memory_space<vmem>>) offsets(%dma_start3A_165 : memref<128xi32, #tpu.memory_space<vmem>>) semaphore(%arg11 : memref<!tpu.dma_semaphore, #tpu.memory_space<semaphore_mem>>)
    %dma_start3A_169 = arith.constant 7 : i32
    %dma_start3A_170 = arith.constant 128 : i32
    %dma_start3A_171 = arith.constant 0 : i32
    %dma_start3A_172 = tpu.memref_slice %arg8[%dma_start3A_170, %dma_start3A_171] : memref<256x128xf32, #tpu.memory_space<vmem>> -> memref<128x128xf32, #tpu.memory_space<vmem>>
    %dma_start3A_173 = arith.constant 0 : i32
    %dma_start3A_174 = tpu.memref_slice %arg6[%dma_start3A_169, %dma_start3A_173] : memref<26x128xi32, #tpu.memory_space<vmem>> -> memref<1x128xi32, #tpu.memory_space<vmem>>
    %dma_start3A_175 = tpu.memref_squeeze %dma_start3A_174 : memref<1x128xi32, #tpu.memory_space<vmem>> -> memref<128xi32, #tpu.memory_space<vmem>>
    %dma_start3A_176 = arith.constant 0 : i32
    %dma_start3A_177 = arith.constant 0 : i32
    %dma_start3A_178 = tpu.memref_slice %arg2[%dma_start3A_176, %dma_start3A_177] : memref<100000x128xf32, #tpu.memory_space<hbm>> -> memref<100000x128xf32, #tpu.memory_space<hbm>>
    tpu.enqueue_indirect_dma source(%dma_start3A_178 : memref<100000x128xf32, #tpu.memory_space<hbm>>) target(%dma_start3A_172 : memref<128x128xf32, #tpu.memory_space<vmem>>) offsets(%dma_start3A_175 : memref<128xi32, #tpu.memory_space<vmem>>) semaphore(%arg11 : memref<!tpu.dma_semaphore, #tpu.memory_space<semaphore_mem>>)
    %scan3A = arith.constant 0 : i32
    %scan3A_179 = arith.constant 0 : i32
    %scan3A_180 = arith.constant 3 : i32
    %scan3A_181 = arith.addi %scan3A_179, %scan3A_180 : i32
    %scan3A_182 = arith.constant 1 : i32
    scf.for %scan3A_324 = %scan3A_179 to %scan3A_181 step %scan3A_182  : i32 {
      %mul3A_325 = arith.constant 3 : i32
      %mul3A_326 = arith.muli %mul3A_325, %scan3A_324 : i32
      %add3A_327 = arith.constant 2 : i32
      %add3A_328 = arith.addi %add3A_327, %mul3A_326 : i32
      %mul3A_329 = arith.constant 2 : i32
      %mul3A_330 = arith.muli %mul3A_329, %add3A_328 : i32
      %dma_wait3A_331 = arith.constant 0 : i32
      %dma_wait3A_332 = arith.constant 0 : i32
      %dma_wait3A_333 = tpu.memref_slice %arg10[%dma_wait3A_331, %dma_wait3A_332] : memref<256x128xf32, #tpu.memory_space<vmem>> -> memref<128x128xf32, #tpu.memory_space<vmem>>
      %dma_wait3A_334 = arith.constant 0 : i32
      %dma_wait3A_335 = tpu.memref_slice %arg6[%mul3A_330, %dma_wait3A_334] : memref<26x128xi32, #tpu.memory_space<vmem>> -> memref<1x128xi32, #tpu.memory_space<vmem>>
      %dma_wait3A_336 = tpu.memref_squeeze %dma_wait3A_335 : memref<1x128xi32, #tpu.memory_space<vmem>> -> memref<128xi32, #tpu.memory_space<vmem>>
      %dma_wait3A_337 = arith.constant 0 : i32
      %dma_wait3A_338 = arith.constant 0 : i32
      %dma_wait3A_339 = tpu.memref_slice %arg2[%dma_wait3A_337, %dma_wait3A_338] : memref<100000x128xf32, #tpu.memory_space<hbm>> -> memref<100000x128xf32, #tpu.memory_space<hbm>>
      tpu.wait_indirect_dma semaphore(%arg13 : memref<!tpu.dma_semaphore, #tpu.memory_space<semaphore_mem>>) src(%dma_wait3A_339 : memref<100000x128xf32, #tpu.memory_space<hbm>>) dst(%dma_wait3A_333 : memref<128x128xf32, #tpu.memory_space<vmem>>)
      %add3A_340 = arith.constant 1 : i32
      %add3A_341 = arith.addi %mul3A_330, %add3A_340 : i32
      %dma_wait3A_342 = arith.constant 128 : i32
      %dma_wait3A_343 = arith.constant 0 : i32
      %dma_wait3A_344 = tpu.memref_slice %arg10[%dma_wait3A_342, %dma_wait3A_343] : memref<256x128xf32, #tpu.memory_space<vmem>> -> memref<128x128xf32, #tpu.memory_space<vmem>>
      %dma_wait3A_345 = arith.constant 0 : i32
      %dma_wait3A_346 = tpu.memref_slice %arg6[%add3A_341, %dma_wait3A_345] : memref<26x128xi32, #tpu.memory_space<vmem>> -> memref<1x128xi32, #tpu.memory_space<vmem>>
      %dma_wait3A_347 = tpu.memref_squeeze %dma_wait3A_346 : memref<1x128xi32, #tpu.memory_space<vmem>> -> memref<128xi32, #tpu.memory_space<vmem>>
      %dma_wait3A_348 = arith.constant 0 : i32
      %dma_wait3A_349 = arith.constant 0 : i32
      %dma_wait3A_350 = tpu.memref_slice %arg2[%dma_wait3A_348, %dma_wait3A_349] : memref<100000x128xf32, #tpu.memory_space<hbm>> -> memref<100000x128xf32, #tpu.memory_space<hbm>>
      tpu.wait_indirect_dma semaphore(%arg13 : memref<!tpu.dma_semaphore, #tpu.memory_space<semaphore_mem>>) src(%dma_wait3A_350 : memref<100000x128xf32, #tpu.memory_space<hbm>>) dst(%dma_wait3A_344 : memref<128x128xf32, #tpu.memory_space<vmem>>)
      %mul3A_351 = arith.constant 2 : i32
      %mul3A_352 = arith.muli %mul3A_351, %add3A_328 : i32
      %dma_start3A_353 = arith.constant 0 : i32
      %dma_start3A_354 = arith.constant 0 : i32
      %dma_start3A_355 = tpu.memref_slice %arg10[%dma_start3A_353, %dma_start3A_354] : memref<256x128xf32, #tpu.memory_space<vmem>> -> memref<128x128xf32, #tpu.memory_space<vmem>>
      %dma_start3A_356 = arith.constant 0 : i32
      %dma_start3A_357 = tpu.memref_slice %arg7[%mul3A_352, %dma_start3A_356] : memref<26x128xi32, #tpu.memory_space<vmem>> -> memref<1x128xi32, #tpu.memory_space<vmem>>
      %dma_start3A_358 = tpu.memref_squeeze %dma_start3A_357 : memref<1x128xi32, #tpu.memory_space<vmem>> -> memref<128xi32, #tpu.memory_space<vmem>>
      %dma_start3A_359 = arith.constant 0 : i32
      %dma_start3A_360 = arith.constant 0 : i32
      %dma_start3A_361 = tpu.memref_slice %arg5[%dma_start3A_359, %dma_start3A_360] : memref<106496x128xf32, #tpu.memory_space<hbm>> -> memref<106496x128xf32, #tpu.memory_space<hbm>>
      tpu.enqueue_indirect_dma source(%dma_start3A_355 : memref<128x128xf32, #tpu.memory_space<vmem>>) target(%dma_start3A_361 : memref<106496x128xf32, #tpu.memory_space<hbm>>) offsets(%dma_start3A_358 : memref<128xi32, #tpu.memory_space<vmem>>) semaphore(%arg16 : memref<!tpu.dma_semaphore, #tpu.memory_space<semaphore_mem>>)
      %add3A_362 = arith.constant 1 : i32
      %add3A_363 = arith.addi %mul3A_352, %add3A_362 : i32
      %dma_start3A_364 = arith.constant 128 : i32
      %dma_start3A_365 = arith.constant 0 : i32
      %dma_start3A_366 = tpu.memref_slice %arg10[%dma_start3A_364, %dma_start3A_365] : memref<256x128xf32, #tpu.memory_space<vmem>> -> memref<128x128xf32, #tpu.memory_space<vmem>>
      %dma_start3A_367 = arith.constant 0 : i32
      %dma_start3A_368 = tpu.memref_slice %arg7[%add3A_363, %dma_start3A_367] : memref<26x128xi32, #tpu.memory_space<vmem>> -> memref<1x128xi32, #tpu.memory_space<vmem>>
      %dma_start3A_369 = tpu.memref_squeeze %dma_start3A_368 : memref<1x128xi32, #tpu.memory_space<vmem>> -> memref<128xi32, #tpu.memory_space<vmem>>
      %dma_start3A_370 = arith.constant 0 : i32
      %dma_start3A_371 = arith.constant 0 : i32
      %dma_start3A_372 = tpu.memref_slice %arg5[%dma_start3A_370, %dma_start3A_371] : memref<106496x128xf32, #tpu.memory_space<hbm>> -> memref<106496x128xf32, #tpu.memory_space<hbm>>
      tpu.enqueue_indirect_dma source(%dma_start3A_366 : memref<128x128xf32, #tpu.memory_space<vmem>>) target(%dma_start3A_372 : memref<106496x128xf32, #tpu.memory_space<hbm>>) offsets(%dma_start3A_369 : memref<128xi32, #tpu.memory_space<vmem>>) semaphore(%arg16 : memref<!tpu.dma_semaphore, #tpu.memory_space<semaphore_mem>>)
      %sub3A = arith.constant 1 : i32
      %sub3A_373 = arith.subi %add3A_328, %sub3A : i32
      %mul3A_374 = arith.constant 2 : i32
      %mul3A_375 = arith.muli %mul3A_374, %sub3A_373 : i32
      %dma_wait3A_376 = arith.constant 0 : i32
      %dma_wait3A_377 = arith.constant 0 : i32
      %dma_wait3A_378 = tpu.memref_slice %arg9[%dma_wait3A_376, %dma_wait3A_377] : memref<256x128xf32, #tpu.memory_space<vmem>> -> memref<128x128xf32, #tpu.memory_space<vmem>>
      %dma_wait3A_379 = arith.constant 0 : i32
      %dma_wait3A_380 = tpu.memref_slice %arg7[%mul3A_375, %dma_wait3A_379] : memref<26x128xi32, #tpu.memory_space<vmem>> -> memref<1x128xi32, #tpu.memory_space<vmem>>
      %dma_wait3A_381 = tpu.memref_squeeze %dma_wait3A_380 : memref<1x128xi32, #tpu.memory_space<vmem>> -> memref<128xi32, #tpu.memory_space<vmem>>
      %dma_wait3A_382 = arith.constant 0 : i32
      %dma_wait3A_383 = arith.constant 0 : i32
      %dma_wait3A_384 = tpu.memref_slice %arg5[%dma_wait3A_382, %dma_wait3A_383] : memref<106496x128xf32, #tpu.memory_space<hbm>> -> memref<106496x128xf32, #tpu.memory_space<hbm>>
      tpu.wait_indirect_dma semaphore(%arg15 : memref<!tpu.dma_semaphore, #tpu.memory_space<semaphore_mem>>) src(%dma_wait3A_378 : memref<128x128xf32, #tpu.memory_space<vmem>>) dst(%dma_wait3A_384 : memref<106496x128xf32, #tpu.memory_space<hbm>>)
      %add3A_385 = arith.constant 1 : i32
      %add3A_386 = arith.addi %mul3A_375, %add3A_385 : i32
      %dma_wait3A_387 = arith.constant 128 : i32
      %dma_wait3A_388 = arith.constant 0 : i32
      %dma_wait3A_389 = tpu.memref_slice %arg9[%dma_wait3A_387, %dma_wait3A_388] : memref<256x128xf32, #tpu.memory_space<vmem>> -> memref<128x128xf32, #tpu.memory_space<vmem>>
      %dma_wait3A_390 = arith.constant 0 : i32
      %dma_wait3A_391 = tpu.memref_slice %arg7[%add3A_386, %dma_wait3A_390] : memref<26x128xi32, #tpu.memory_space<vmem>> -> memref<1x128xi32, #tpu.memory_space<vmem>>
      %dma_wait3A_392 = tpu.memref_squeeze %dma_wait3A_391 : memref<1x128xi32, #tpu.memory_space<vmem>> -> memref<128xi32, #tpu.memory_space<vmem>>
      %dma_wait3A_393 = arith.constant 0 : i32
      %dma_wait3A_394 = arith.constant 0 : i32
      %dma_wait3A_395 = tpu.memref_slice %arg5[%dma_wait3A_393, %dma_wait3A_394] : memref<106496x128xf32, #tpu.memory_space<hbm>> -> memref<106496x128xf32, #tpu.memory_space<hbm>>
      tpu.wait_indirect_dma semaphore(%arg15 : memref<!tpu.dma_semaphore, #tpu.memory_space<semaphore_mem>>) src(%dma_wait3A_389 : memref<128x128xf32, #tpu.memory_space<vmem>>) dst(%dma_wait3A_395 : memref<106496x128xf32, #tpu.memory_space<hbm>>)
      %add3A_396 = arith.constant 2 : i32
      %add3A_397 = arith.addi %add3A_328, %add3A_396 : i32
      %mul3A_398 = arith.constant 2 : i32
      %mul3A_399 = arith.muli %mul3A_398, %add3A_397 : i32
      %dma_start3A_400 = arith.constant 0 : i32
      %dma_start3A_401 = arith.constant 0 : i32
      %dma_start3A_402 = tpu.memref_slice %arg9[%dma_start3A_400, %dma_start3A_401] : memref<256x128xf32, #tpu.memory_space<vmem>> -> memref<128x128xf32, #tpu.memory_space<vmem>>
      %dma_start3A_403 = arith.constant 0 : i32
      %dma_start3A_404 = tpu.memref_slice %arg6[%mul3A_399, %dma_start3A_403] : memref<26x128xi32, #tpu.memory_space<vmem>> -> memref<1x128xi32, #tpu.memory_space<vmem>>
      %dma_start3A_405 = tpu.memref_squeeze %dma_start3A_404 : memref<1x128xi32, #tpu.memory_space<vmem>> -> memref<128xi32, #tpu.memory_space<vmem>>
      %dma_start3A_406 = arith.constant 0 : i32
      %dma_start3A_407 = arith.constant 0 : i32
      %dma_start3A_408 = tpu.memref_slice %arg2[%dma_start3A_406, %dma_start3A_407] : memref<100000x128xf32, #tpu.memory_space<hbm>> -> memref<100000x128xf32, #tpu.memory_space<hbm>>
      tpu.enqueue_indirect_dma source(%dma_start3A_408 : memref<100000x128xf32, #tpu.memory_space<hbm>>) target(%dma_start3A_402 : memref<128x128xf32, #tpu.memory_space<vmem>>) offsets(%dma_start3A_405 : memref<128xi32, #tpu.memory_space<vmem>>) semaphore(%arg12 : memref<!tpu.dma_semaphore, #tpu.memory_space<semaphore_mem>>)
      %add3A_409 = arith.constant 1 : i32
      %add3A_410 = arith.addi %mul3A_399, %add3A_409 : i32
      %dma_start3A_411 = arith.constant 128 : i32
      %dma_start3A_412 = arith.constant 0 : i32
      %dma_start3A_413 = tpu.memref_slice %arg9[%dma_start3A_411, %dma_start3A_412] : memref<256x128xf32, #tpu.memory_space<vmem>> -> memref<128x128xf32, #tpu.memory_space<vmem>>
      %dma_start3A_414 = arith.constant 0 : i32
      %dma_start3A_415 = tpu.memref_slice %arg6[%add3A_410, %dma_start3A_414] : memref<26x128xi32, #tpu.memory_space<vmem>> -> memref<1x128xi32, #tpu.memory_space<vmem>>
      %dma_start3A_416 = tpu.memref_squeeze %dma_start3A_415 : memref<1x128xi32, #tpu.memory_space<vmem>> -> memref<128xi32, #tpu.memory_space<vmem>>
      %dma_start3A_417 = arith.constant 0 : i32
      %dma_start3A_418 = arith.constant 0 : i32
      %dma_start3A_419 = tpu.memref_slice %arg2[%dma_start3A_417, %dma_start3A_418] : memref<100000x128xf32, #tpu.memory_space<hbm>> -> memref<100000x128xf32, #tpu.memory_space<hbm>>
      tpu.enqueue_indirect_dma source(%dma_start3A_419 : memref<100000x128xf32, #tpu.memory_space<hbm>>) target(%dma_start3A_413 : memref<128x128xf32, #tpu.memory_space<vmem>>) offsets(%dma_start3A_416 : memref<128xi32, #tpu.memory_space<vmem>>) semaphore(%arg12 : memref<!tpu.dma_semaphore, #tpu.memory_space<semaphore_mem>>)
      %add3A_420 = arith.constant 1 : i32
      %add3A_421 = arith.addi %add3A_328, %add3A_420 : i32
      %mul3A_422 = arith.constant 2 : i32
      %mul3A_423 = arith.muli %mul3A_422, %add3A_421 : i32
      %dma_wait3A_424 = arith.constant 0 : i32
      %dma_wait3A_425 = arith.constant 0 : i32
      %dma_wait3A_426 = tpu.memref_slice %arg8[%dma_wait3A_424, %dma_wait3A_425] : memref<256x128xf32, #tpu.memory_space<vmem>> -> memref<128x128xf32, #tpu.memory_space<vmem>>
      %dma_wait3A_427 = arith.constant 0 : i32
      %dma_wait3A_428 = tpu.memref_slice %arg6[%mul3A_423, %dma_wait3A_427] : memref<26x128xi32, #tpu.memory_space<vmem>> -> memref<1x128xi32, #tpu.memory_space<vmem>>
      %dma_wait3A_429 = tpu.memref_squeeze %dma_wait3A_428 : memref<1x128xi32, #tpu.memory_space<vmem>> -> memref<128xi32, #tpu.memory_space<vmem>>
      %dma_wait3A_430 = arith.constant 0 : i32
      %dma_wait3A_431 = arith.constant 0 : i32
      %dma_wait3A_432 = tpu.memref_slice %arg2[%dma_wait3A_430, %dma_wait3A_431] : memref<100000x128xf32, #tpu.memory_space<hbm>> -> memref<100000x128xf32, #tpu.memory_space<hbm>>
      tpu.wait_indirect_dma semaphore(%arg11 : memref<!tpu.dma_semaphore, #tpu.memory_space<semaphore_mem>>) src(%dma_wait3A_432 : memref<100000x128xf32, #tpu.memory_space<hbm>>) dst(%dma_wait3A_426 : memref<128x128xf32, #tpu.memory_space<vmem>>)
      %add3A_433 = arith.constant 1 : i32
      %add3A_434 = arith.addi %mul3A_423, %add3A_433 : i32
      %dma_wait3A_435 = arith.constant 128 : i32
      %dma_wait3A_436 = arith.constant 0 : i32
      %dma_wait3A_437 = tpu.memref_slice %arg8[%dma_wait3A_435, %dma_wait3A_436] : memref<256x128xf32, #tpu.memory_space<vmem>> -> memref<128x128xf32, #tpu.memory_space<vmem>>
      %dma_wait3A_438 = arith.constant 0 : i32
      %dma_wait3A_439 = tpu.memref_slice %arg6[%add3A_434, %dma_wait3A_438] : memref<26x128xi32, #tpu.memory_space<vmem>> -> memref<1x128xi32, #tpu.memory_space<vmem>>
      %dma_wait3A_440 = tpu.memref_squeeze %dma_wait3A_439 : memref<1x128xi32, #tpu.memory_space<vmem>> -> memref<128xi32, #tpu.memory_space<vmem>>
      %dma_wait3A_441 = arith.constant 0 : i32
      %dma_wait3A_442 = arith.constant 0 : i32
      %dma_wait3A_443 = tpu.memref_slice %arg2[%dma_wait3A_441, %dma_wait3A_442] : memref<100000x128xf32, #tpu.memory_space<hbm>> -> memref<100000x128xf32, #tpu.memory_space<hbm>>
      tpu.wait_indirect_dma semaphore(%arg11 : memref<!tpu.dma_semaphore, #tpu.memory_space<semaphore_mem>>) src(%dma_wait3A_443 : memref<100000x128xf32, #tpu.memory_space<hbm>>) dst(%dma_wait3A_437 : memref<128x128xf32, #tpu.memory_space<vmem>>)
      %mul3A_444 = arith.constant 2 : i32
      %mul3A_445 = arith.muli %mul3A_444, %add3A_421 : i32
      %dma_start3A_446 = arith.constant 0 : i32
      %dma_start3A_447 = arith.constant 0 : i32
      %dma_start3A_448 = tpu.memref_slice %arg8[%dma_start3A_446, %dma_start3A_447] : memref<256x128xf32, #tpu.memory_space<vmem>> -> memref<128x128xf32, #tpu.memory_space<vmem>>
      %dma_start3A_449 = arith.constant 0 : i32
      %dma_start3A_450 = tpu.memref_slice %arg7[%mul3A_445, %dma_start3A_449] : memref<26x128xi32, #tpu.memory_space<vmem>> -> memref<1x128xi32, #tpu.memory_space<vmem>>
      %dma_start3A_451 = tpu.memref_squeeze %dma_start3A_450 : memref<1x128xi32, #tpu.memory_space<vmem>> -> memref<128xi32, #tpu.memory_space<vmem>>
      %dma_start3A_452 = arith.constant 0 : i32
      %dma_start3A_453 = arith.constant 0 : i32
      %dma_start3A_454 = tpu.memref_slice %arg5[%dma_start3A_452, %dma_start3A_453] : memref<106496x128xf32, #tpu.memory_space<hbm>> -> memref<106496x128xf32, #tpu.memory_space<hbm>>
      tpu.enqueue_indirect_dma source(%dma_start3A_448 : memref<128x128xf32, #tpu.memory_space<vmem>>) target(%dma_start3A_454 : memref<106496x128xf32, #tpu.memory_space<hbm>>) offsets(%dma_start3A_451 : memref<128xi32, #tpu.memory_space<vmem>>) semaphore(%arg14 : memref<!tpu.dma_semaphore, #tpu.memory_space<semaphore_mem>>)
      %add3A_455 = arith.constant 1 : i32
      %add3A_456 = arith.addi %mul3A_445, %add3A_455 : i32
      %dma_start3A_457 = arith.constant 128 : i32
      %dma_start3A_458 = arith.constant 0 : i32
      %dma_start3A_459 = tpu.memref_slice %arg8[%dma_start3A_457, %dma_start3A_458] : memref<256x128xf32, #tpu.memory_space<vmem>> -> memref<128x128xf32, #tpu.memory_space<vmem>>
      %dma_start3A_460 = arith.constant 0 : i32
      %dma_start3A_461 = tpu.memref_slice %arg7[%add3A_456, %dma_start3A_460] : memref<26x128xi32, #tpu.memory_space<vmem>> -> memref<1x128xi32, #tpu.memory_space<vmem>>
      %dma_start3A_462 = tpu.memref_squeeze %dma_start3A_461 : memref<1x128xi32, #tpu.memory_space<vmem>> -> memref<128xi32, #tpu.memory_space<vmem>>
      %dma_start3A_463 = arith.constant 0 : i32
      %dma_start3A_464 = arith.constant 0 : i32
      %dma_start3A_465 = tpu.memref_slice %arg5[%dma_start3A_463, %dma_start3A_464] : memref<106496x128xf32, #tpu.memory_space<hbm>> -> memref<106496x128xf32, #tpu.memory_space<hbm>>
      tpu.enqueue_indirect_dma source(%dma_start3A_459 : memref<128x128xf32, #tpu.memory_space<vmem>>) target(%dma_start3A_465 : memref<106496x128xf32, #tpu.memory_space<hbm>>) offsets(%dma_start3A_462 : memref<128xi32, #tpu.memory_space<vmem>>) semaphore(%arg14 : memref<!tpu.dma_semaphore, #tpu.memory_space<semaphore_mem>>)
      %sub3A_466 = arith.constant 1 : i32
      %sub3A_467 = arith.subi %add3A_421, %sub3A_466 : i32
      %mul3A_468 = arith.constant 2 : i32
      %mul3A_469 = arith.muli %mul3A_468, %sub3A_467 : i32
      %dma_wait3A_470 = arith.constant 0 : i32
      %dma_wait3A_471 = arith.constant 0 : i32
      %dma_wait3A_472 = tpu.memref_slice %arg10[%dma_wait3A_470, %dma_wait3A_471] : memref<256x128xf32, #tpu.memory_space<vmem>> -> memref<128x128xf32, #tpu.memory_space<vmem>>
      %dma_wait3A_473 = arith.constant 0 : i32
      %dma_wait3A_474 = tpu.memref_slice %arg7[%mul3A_469, %dma_wait3A_473] : memref<26x128xi32, #tpu.memory_space<vmem>> -> memref<1x128xi32, #tpu.memory_space<vmem>>
      %dma_wait3A_475 = tpu.memref_squeeze %dma_wait3A_474 : memref<1x128xi32, #tpu.memory_space<vmem>> -> memref<128xi32, #tpu.memory_space<vmem>>
      %dma_wait3A_476 = arith.constant 0 : i32
      %dma_wait3A_477 = arith.constant 0 : i32
      %dma_wait3A_478 = tpu.memref_slice %arg5[%dma_wait3A_476, %dma_wait3A_477] : memref<106496x128xf32, #tpu.memory_space<hbm>> -> memref<106496x128xf32, #tpu.memory_space<hbm>>
      tpu.wait_indirect_dma semaphore(%arg16 : memref<!tpu.dma_semaphore, #tpu.memory_space<semaphore_mem>>) src(%dma_wait3A_472 : memref<128x128xf32, #tpu.memory_space<vmem>>) dst(%dma_wait3A_478 : memref<106496x128xf32, #tpu.memory_space<hbm>>)
      %add3A_479 = arith.constant 1 : i32
      %add3A_480 = arith.addi %mul3A_469, %add3A_479 : i32
      %dma_wait3A_481 = arith.constant 128 : i32
      %dma_wait3A_482 = arith.constant 0 : i32
      %dma_wait3A_483 = tpu.memref_slice %arg10[%dma_wait3A_481, %dma_wait3A_482] : memref<256x128xf32, #tpu.memory_space<vmem>> -> memref<128x128xf32, #tpu.memory_space<vmem>>
      %dma_wait3A_484 = arith.constant 0 : i32
      %dma_wait3A_485 = tpu.memref_slice %arg7[%add3A_480, %dma_wait3A_484] : memref<26x128xi32, #tpu.memory_space<vmem>> -> memref<1x128xi32, #tpu.memory_space<vmem>>
      %dma_wait3A_486 = tpu.memref_squeeze %dma_wait3A_485 : memref<1x128xi32, #tpu.memory_space<vmem>> -> memref<128xi32, #tpu.memory_space<vmem>>
      %dma_wait3A_487 = arith.constant 0 : i32
      %dma_wait3A_488 = arith.constant 0 : i32
      %dma_wait3A_489 = tpu.memref_slice %arg5[%dma_wait3A_487, %dma_wait3A_488] : memref<106496x128xf32, #tpu.memory_space<hbm>> -> memref<106496x128xf32, #tpu.memory_space<hbm>>
      tpu.wait_indirect_dma semaphore(%arg16 : memref<!tpu.dma_semaphore, #tpu.memory_space<semaphore_mem>>) src(%dma_wait3A_483 : memref<128x128xf32, #tpu.memory_space<vmem>>) dst(%dma_wait3A_489 : memref<106496x128xf32, #tpu.memory_space<hbm>>)
      %add3A_490 = arith.constant 2 : i32
      %add3A_491 = arith.addi %add3A_421, %add3A_490 : i32
      %mul3A_492 = arith.constant 2 : i32
      %mul3A_493 = arith.muli %mul3A_492, %add3A_491 : i32
      %dma_start3A_494 = arith.constant 0 : i32
      %dma_start3A_495 = arith.constant 0 : i32
      %dma_start3A_496 = tpu.memref_slice %arg10[%dma_start3A_494, %dma_start3A_495] : memref<256x128xf32, #tpu.memory_space<vmem>> -> memref<128x128xf32, #tpu.memory_space<vmem>>
      %dma_start3A_497 = arith.constant 0 : i32
      %dma_start3A_498 = tpu.memref_slice %arg6[%mul3A_493, %dma_start3A_497] : memref<26x128xi32, #tpu.memory_space<vmem>> -> memref<1x128xi32, #tpu.memory_space<vmem>>
      %dma_start3A_499 = tpu.memref_squeeze %dma_start3A_498 : memref<1x128xi32, #tpu.memory_space<vmem>> -> memref<128xi32, #tpu.memory_space<vmem>>
      %dma_start3A_500 = arith.constant 0 : i32
      %dma_start3A_501 = arith.constant 0 : i32
      %dma_start3A_502 = tpu.memref_slice %arg2[%dma_start3A_500, %dma_start3A_501] : memref<100000x128xf32, #tpu.memory_space<hbm>> -> memref<100000x128xf32, #tpu.memory_space<hbm>>
      tpu.enqueue_indirect_dma source(%dma_start3A_502 : memref<100000x128xf32, #tpu.memory_space<hbm>>) target(%dma_start3A_496 : memref<128x128xf32, #tpu.memory_space<vmem>>) offsets(%dma_start3A_499 : memref<128xi32, #tpu.memory_space<vmem>>) semaphore(%arg13 : memref<!tpu.dma_semaphore, #tpu.memory_space<semaphore_mem>>)
      %add3A_503 = arith.constant 1 : i32
      %add3A_504 = arith.addi %mul3A_493, %add3A_503 : i32
      %dma_start3A_505 = arith.constant 128 : i32
      %dma_start3A_506 = arith.constant 0 : i32
      %dma_start3A_507 = tpu.memref_slice %arg10[%dma_start3A_505, %dma_start3A_506] : memref<256x128xf32, #tpu.memory_space<vmem>> -> memref<128x128xf32, #tpu.memory_space<vmem>>
      %dma_start3A_508 = arith.constant 0 : i32
      %dma_start3A_509 = tpu.memref_slice %arg6[%add3A_504, %dma_start3A_508] : memref<26x128xi32, #tpu.memory_space<vmem>> -> memref<1x128xi32, #tpu.memory_space<vmem>>
      %dma_start3A_510 = tpu.memref_squeeze %dma_start3A_509 : memref<1x128xi32, #tpu.memory_space<vmem>> -> memref<128xi32, #tpu.memory_space<vmem>>
      %dma_start3A_511 = arith.constant 0 : i32
      %dma_start3A_512 = arith.constant 0 : i32
      %dma_start3A_513 = tpu.memref_slice %arg2[%dma_start3A_511, %dma_start3A_512] : memref<100000x128xf32, #tpu.memory_space<hbm>> -> memref<100000x128xf32, #tpu.memory_space<hbm>>
      tpu.enqueue_indirect_dma source(%dma_start3A_513 : memref<100000x128xf32, #tpu.memory_space<hbm>>) target(%dma_start3A_507 : memref<128x128xf32, #tpu.memory_space<vmem>>) offsets(%dma_start3A_510 : memref<128xi32, #tpu.memory_space<vmem>>) semaphore(%arg13 : memref<!tpu.dma_semaphore, #tpu.memory_space<semaphore_mem>>)
      %add3A_514 = arith.constant 2 : i32
      %add3A_515 = arith.addi %add3A_328, %add3A_514 : i32
      %mul3A_516 = arith.constant 2 : i32
      %mul3A_517 = arith.muli %mul3A_516, %add3A_515 : i32
      %dma_wait3A_518 = arith.constant 0 : i32
      %dma_wait3A_519 = arith.constant 0 : i32
      %dma_wait3A_520 = tpu.memref_slice %arg9[%dma_wait3A_518, %dma_wait3A_519] : memref<256x128xf32, #tpu.memory_space<vmem>> -> memref<128x128xf32, #tpu.memory_space<vmem>>
      %dma_wait3A_521 = arith.constant 0 : i32
      %dma_wait3A_522 = tpu.memref_slice %arg6[%mul3A_517, %dma_wait3A_521] : memref<26x128xi32, #tpu.memory_space<vmem>> -> memref<1x128xi32, #tpu.memory_space<vmem>>
      %dma_wait3A_523 = tpu.memref_squeeze %dma_wait3A_522 : memref<1x128xi32, #tpu.memory_space<vmem>> -> memref<128xi32, #tpu.memory_space<vmem>>
      %dma_wait3A_524 = arith.constant 0 : i32
      %dma_wait3A_525 = arith.constant 0 : i32
      %dma_wait3A_526 = tpu.memref_slice %arg2[%dma_wait3A_524, %dma_wait3A_525] : memref<100000x128xf32, #tpu.memory_space<hbm>> -> memref<100000x128xf32, #tpu.memory_space<hbm>>
      tpu.wait_indirect_dma semaphore(%arg12 : memref<!tpu.dma_semaphore, #tpu.memory_space<semaphore_mem>>) src(%dma_wait3A_526 : memref<100000x128xf32, #tpu.memory_space<hbm>>) dst(%dma_wait3A_520 : memref<128x128xf32, #tpu.memory_space<vmem>>)
      %add3A_527 = arith.constant 1 : i32
      %add3A_528 = arith.addi %mul3A_517, %add3A_527 : i32
      %dma_wait3A_529 = arith.constant 128 : i32
      %dma_wait3A_530 = arith.constant 0 : i32
      %dma_wait3A_531 = tpu.memref_slice %arg9[%dma_wait3A_529, %dma_wait3A_530] : memref<256x128xf32, #tpu.memory_space<vmem>> -> memref<128x128xf32, #tpu.memory_space<vmem>>
      %dma_wait3A_532 = arith.constant 0 : i32
      %dma_wait3A_533 = tpu.memref_slice %arg6[%add3A_528, %dma_wait3A_532] : memref<26x128xi32, #tpu.memory_space<vmem>> -> memref<1x128xi32, #tpu.memory_space<vmem>>
      %dma_wait3A_534 = tpu.memref_squeeze %dma_wait3A_533 : memref<1x128xi32, #tpu.memory_space<vmem>> -> memref<128xi32, #tpu.memory_space<vmem>>
      %dma_wait3A_535 = arith.constant 0 : i32
      %dma_wait3A_536 = arith.constant 0 : i32
      %dma_wait3A_537 = tpu.memref_slice %arg2[%dma_wait3A_535, %dma_wait3A_536] : memref<100000x128xf32, #tpu.memory_space<hbm>> -> memref<100000x128xf32, #tpu.memory_space<hbm>>
      tpu.wait_indirect_dma semaphore(%arg12 : memref<!tpu.dma_semaphore, #tpu.memory_space<semaphore_mem>>) src(%dma_wait3A_537 : memref<100000x128xf32, #tpu.memory_space<hbm>>) dst(%dma_wait3A_531 : memref<128x128xf32, #tpu.memory_space<vmem>>)
      %mul3A_538 = arith.constant 2 : i32
      %mul3A_539 = arith.muli %mul3A_538, %add3A_515 : i32
      %dma_start3A_540 = arith.constant 0 : i32
      %dma_start3A_541 = arith.constant 0 : i32
      %dma_start3A_542 = tpu.memref_slice %arg9[%dma_start3A_540, %dma_start3A_541] : memref<256x128xf32, #tpu.memory_space<vmem>> -> memref<128x128xf32, #tpu.memory_space<vmem>>
      %dma_start3A_543 = arith.constant 0 : i32
      %dma_start3A_544 = tpu.memref_slice %arg7[%mul3A_539, %dma_start3A_543] : memref<26x128xi32, #tpu.memory_space<vmem>> -> memref<1x128xi32, #tpu.memory_space<vmem>>
      %dma_start3A_545 = tpu.memref_squeeze %dma_start3A_544 : memref<1x128xi32, #tpu.memory_space<vmem>> -> memref<128xi32, #tpu.memory_space<vmem>>
      %dma_start3A_546 = arith.constant 0 : i32
      %dma_start3A_547 = arith.constant 0 : i32
      %dma_start3A_548 = tpu.memref_slice %arg5[%dma_start3A_546, %dma_start3A_547] : memref<106496x128xf32, #tpu.memory_space<hbm>> -> memref<106496x128xf32, #tpu.memory_space<hbm>>
      tpu.enqueue_indirect_dma source(%dma_start3A_542 : memref<128x128xf32, #tpu.memory_space<vmem>>) target(%dma_start3A_548 : memref<106496x128xf32, #tpu.memory_space<hbm>>) offsets(%dma_start3A_545 : memref<128xi32, #tpu.memory_space<vmem>>) semaphore(%arg15 : memref<!tpu.dma_semaphore, #tpu.memory_space<semaphore_mem>>)
      %add3A_549 = arith.constant 1 : i32
      %add3A_550 = arith.addi %mul3A_539, %add3A_549 : i32
      %dma_start3A_551 = arith.constant 128 : i32
      %dma_start3A_552 = arith.constant 0 : i32
      %dma_start3A_553 = tpu.memref_slice %arg9[%dma_start3A_551, %dma_start3A_552] : memref<256x128xf32, #tpu.memory_space<vmem>> -> memref<128x128xf32, #tpu.memory_space<vmem>>
      %dma_start3A_554 = arith.constant 0 : i32
      %dma_start3A_555 = tpu.memref_slice %arg7[%add3A_550, %dma_start3A_554] : memref<26x128xi32, #tpu.memory_space<vmem>> -> memref<1x128xi32, #tpu.memory_space<vmem>>
      %dma_start3A_556 = tpu.memref_squeeze %dma_start3A_555 : memref<1x128xi32, #tpu.memory_space<vmem>> -> memref<128xi32, #tpu.memory_space<vmem>>
      %dma_start3A_557 = arith.constant 0 : i32
      %dma_start3A_558 = arith.constant 0 : i32
      %dma_start3A_559 = tpu.memref_slice %arg5[%dma_start3A_557, %dma_start3A_558] : memref<106496x128xf32, #tpu.memory_space<hbm>> -> memref<106496x128xf32, #tpu.memory_space<hbm>>
      tpu.enqueue_indirect_dma source(%dma_start3A_553 : memref<128x128xf32, #tpu.memory_space<vmem>>) target(%dma_start3A_559 : memref<106496x128xf32, #tpu.memory_space<hbm>>) offsets(%dma_start3A_556 : memref<128xi32, #tpu.memory_space<vmem>>) semaphore(%arg15 : memref<!tpu.dma_semaphore, #tpu.memory_space<semaphore_mem>>)
      %sub3A_560 = arith.constant 1 : i32
      %sub3A_561 = arith.subi %add3A_515, %sub3A_560 : i32
      %mul3A_562 = arith.constant 2 : i32
      %mul3A_563 = arith.muli %mul3A_562, %sub3A_561 : i32
      %dma_wait3A_564 = arith.constant 0 : i32
      %dma_wait3A_565 = arith.constant 0 : i32
      %dma_wait3A_566 = tpu.memref_slice %arg8[%dma_wait3A_564, %dma_wait3A_565] : memref<256x128xf32, #tpu.memory_space<vmem>> -> memref<128x128xf32, #tpu.memory_space<vmem>>
      %dma_wait3A_567 = arith.constant 0 : i32
      %dma_wait3A_568 = tpu.memref_slice %arg7[%mul3A_563, %dma_wait3A_567] : memref<26x128xi32, #tpu.memory_space<vmem>> -> memref<1x128xi32, #tpu.memory_space<vmem>>
      %dma_wait3A_569 = tpu.memref_squeeze %dma_wait3A_568 : memref<1x128xi32, #tpu.memory_space<vmem>> -> memref<128xi32, #tpu.memory_space<vmem>>
      %dma_wait3A_570 = arith.constant 0 : i32
      %dma_wait3A_571 = arith.constant 0 : i32
      %dma_wait3A_572 = tpu.memref_slice %arg5[%dma_wait3A_570, %dma_wait3A_571] : memref<106496x128xf32, #tpu.memory_space<hbm>> -> memref<106496x128xf32, #tpu.memory_space<hbm>>
      tpu.wait_indirect_dma semaphore(%arg14 : memref<!tpu.dma_semaphore, #tpu.memory_space<semaphore_mem>>) src(%dma_wait3A_566 : memref<128x128xf32, #tpu.memory_space<vmem>>) dst(%dma_wait3A_572 : memref<106496x128xf32, #tpu.memory_space<hbm>>)
      %add3A_573 = arith.constant 1 : i32
      %add3A_574 = arith.addi %mul3A_563, %add3A_573 : i32
      %dma_wait3A_575 = arith.constant 128 : i32
      %dma_wait3A_576 = arith.constant 0 : i32
      %dma_wait3A_577 = tpu.memref_slice %arg8[%dma_wait3A_575, %dma_wait3A_576] : memref<256x128xf32, #tpu.memory_space<vmem>> -> memref<128x128xf32, #tpu.memory_space<vmem>>
      %dma_wait3A_578 = arith.constant 0 : i32
      %dma_wait3A_579 = tpu.memref_slice %arg7[%add3A_574, %dma_wait3A_578] : memref<26x128xi32, #tpu.memory_space<vmem>> -> memref<1x128xi32, #tpu.memory_space<vmem>>
      %dma_wait3A_580 = tpu.memref_squeeze %dma_wait3A_579 : memref<1x128xi32, #tpu.memory_space<vmem>> -> memref<128xi32, #tpu.memory_space<vmem>>
      %dma_wait3A_581 = arith.constant 0 : i32
      %dma_wait3A_582 = arith.constant 0 : i32
      %dma_wait3A_583 = tpu.memref_slice %arg5[%dma_wait3A_581, %dma_wait3A_582] : memref<106496x128xf32, #tpu.memory_space<hbm>> -> memref<106496x128xf32, #tpu.memory_space<hbm>>
      tpu.wait_indirect_dma semaphore(%arg14 : memref<!tpu.dma_semaphore, #tpu.memory_space<semaphore_mem>>) src(%dma_wait3A_577 : memref<128x128xf32, #tpu.memory_space<vmem>>) dst(%dma_wait3A_583 : memref<106496x128xf32, #tpu.memory_space<hbm>>)
      %add3A_584 = arith.constant 2 : i32
      %add3A_585 = arith.addi %add3A_515, %add3A_584 : i32
      %mul3A_586 = arith.constant 2 : i32
      %mul3A_587 = arith.muli %mul3A_586, %add3A_585 : i32
      %dma_start3A_588 = arith.constant 0 : i32
      %dma_start3A_589 = arith.constant 0 : i32
      %dma_start3A_590 = tpu.memref_slice %arg8[%dma_start3A_588, %dma_start3A_589] : memref<256x128xf32, #tpu.memory_space<vmem>> -> memref<128x128xf32, #tpu.memory_space<vmem>>
      %dma_start3A_591 = arith.constant 0 : i32
      %dma_start3A_592 = tpu.memref_slice %arg6[%mul3A_587, %dma_start3A_591] : memref<26x128xi32, #tpu.memory_space<vmem>> -> memref<1x128xi32, #tpu.memory_space<vmem>>
      %dma_start3A_593 = tpu.memref_squeeze %dma_start3A_592 : memref<1x128xi32, #tpu.memory_space<vmem>> -> memref<128xi32, #tpu.memory_space<vmem>>
      %dma_start3A_594 = arith.constant 0 : i32
      %dma_start3A_595 = arith.constant 0 : i32
      %dma_start3A_596 = tpu.memref_slice %arg2[%dma_start3A_594, %dma_start3A_595] : memref<100000x128xf32, #tpu.memory_space<hbm>> -> memref<100000x128xf32, #tpu.memory_space<hbm>>
      tpu.enqueue_indirect_dma source(%dma_start3A_596 : memref<100000x128xf32, #tpu.memory_space<hbm>>) target(%dma_start3A_590 : memref<128x128xf32, #tpu.memory_space<vmem>>) offsets(%dma_start3A_593 : memref<128xi32, #tpu.memory_space<vmem>>) semaphore(%arg11 : memref<!tpu.dma_semaphore, #tpu.memory_space<semaphore_mem>>)
      %add3A_597 = arith.constant 1 : i32
      %add3A_598 = arith.addi %mul3A_587, %add3A_597 : i32
      %dma_start3A_599 = arith.constant 128 : i32
      %dma_start3A_600 = arith.constant 0 : i32
      %dma_start3A_601 = tpu.memref_slice %arg8[%dma_start3A_599, %dma_start3A_600] : memref<256x128xf32, #tpu.memory_space<vmem>> -> memref<128x128xf32, #tpu.memory_space<vmem>>
      %dma_start3A_602 = arith.constant 0 : i32
      %dma_start3A_603 = tpu.memref_slice %arg6[%add3A_598, %dma_start3A_602] : memref<26x128xi32, #tpu.memory_space<vmem>> -> memref<1x128xi32, #tpu.memory_space<vmem>>
      %dma_start3A_604 = tpu.memref_squeeze %dma_start3A_603 : memref<1x128xi32, #tpu.memory_space<vmem>> -> memref<128xi32, #tpu.memory_space<vmem>>
      %dma_start3A_605 = arith.constant 0 : i32
      %dma_start3A_606 = arith.constant 0 : i32
      %dma_start3A_607 = tpu.memref_slice %arg2[%dma_start3A_605, %dma_start3A_606] : memref<100000x128xf32, #tpu.memory_space<hbm>> -> memref<100000x128xf32, #tpu.memory_space<hbm>>
      tpu.enqueue_indirect_dma source(%dma_start3A_607 : memref<100000x128xf32, #tpu.memory_space<hbm>>) target(%dma_start3A_601 : memref<128x128xf32, #tpu.memory_space<vmem>>) offsets(%dma_start3A_604 : memref<128xi32, #tpu.memory_space<vmem>>) semaphore(%arg11 : memref<!tpu.dma_semaphore, #tpu.memory_space<semaphore_mem>>)
    }
    %scan3A_183 = arith.constant 3 : i32
    %dma_wait3A_184 = arith.constant 22 : i32
    %dma_wait3A_185 = arith.constant 0 : i32
    %dma_wait3A_186 = arith.constant 0 : i32
    %dma_wait3A_187 = tpu.memref_slice %arg10[%dma_wait3A_185, %dma_wait3A_186] : memref<256x128xf32, #tpu.memory_space<vmem>> -> memref<128x128xf32, #tpu.memory_space<vmem>>
    %dma_wait3A_188 = arith.constant 0 : i32
    %dma_wait3A_189 = tpu.memref_slice %arg6[%dma_wait3A_184, %dma_wait3A_188] : memref<26x128xi32, #tpu.memory_space<vmem>> -> memref<1x128xi32, #tpu.memory_space<vmem>>
    %dma_wait3A_190 = tpu.memref_squeeze %dma_wait3A_189 : memref<1x128xi32, #tpu.memory_space<vmem>> -> memref<128xi32, #tpu.memory_space<vmem>>
    %dma_wait3A_191 = arith.constant 0 : i32
    %dma_wait3A_192 = arith.constant 0 : i32
    %dma_wait3A_193 = tpu.memref_slice %arg2[%dma_wait3A_191, %dma_wait3A_192] : memref<100000x128xf32, #tpu.memory_space<hbm>> -> memref<100000x128xf32, #tpu.memory_space<hbm>>
    tpu.wait_indirect_dma semaphore(%arg13 : memref<!tpu.dma_semaphore, #tpu.memory_space<semaphore_mem>>) src(%dma_wait3A_193 : memref<100000x128xf32, #tpu.memory_space<hbm>>) dst(%dma_wait3A_187 : memref<128x128xf32, #tpu.memory_space<vmem>>)
    %dma_wait3A_194 = arith.constant 23 : i32
    %dma_wait3A_195 = arith.constant 128 : i32
    %dma_wait3A_196 = arith.constant 0 : i32
    %dma_wait3A_197 = tpu.memref_slice %arg10[%dma_wait3A_195, %dma_wait3A_196] : memref<256x128xf32, #tpu.memory_space<vmem>> -> memref<128x128xf32, #tpu.memory_space<vmem>>
    %dma_wait3A_198 = arith.constant 0 : i32
    %dma_wait3A_199 = tpu.memref_slice %arg6[%dma_wait3A_194, %dma_wait3A_198] : memref<26x128xi32, #tpu.memory_space<vmem>> -> memref<1x128xi32, #tpu.memory_space<vmem>>
    %dma_wait3A_200 = tpu.memref_squeeze %dma_wait3A_199 : memref<1x128xi32, #tpu.memory_space<vmem>> -> memref<128xi32, #tpu.memory_space<vmem>>
    %dma_wait3A_201 = arith.constant 0 : i32
    %dma_wait3A_202 = arith.constant 0 : i32
    %dma_wait3A_203 = tpu.memref_slice %arg2[%dma_wait3A_201, %dma_wait3A_202] : memref<100000x128xf32, #tpu.memory_space<hbm>> -> memref<100000x128xf32, #tpu.memory_space<hbm>>
    tpu.wait_indirect_dma semaphore(%arg13 : memref<!tpu.dma_semaphore, #tpu.memory_space<semaphore_mem>>) src(%dma_wait3A_203 : memref<100000x128xf32, #tpu.memory_space<hbm>>) dst(%dma_wait3A_197 : memref<128x128xf32, #tpu.memory_space<vmem>>)
    %dma_start3A_204 = arith.constant 22 : i32
    %dma_start3A_205 = arith.constant 0 : i32
    %dma_start3A_206 = arith.constant 0 : i32
    %dma_start3A_207 = tpu.memref_slice %arg10[%dma_start3A_205, %dma_start3A_206] : memref<256x128xf32, #tpu.memory_space<vmem>> -> memref<128x128xf32, #tpu.memory_space<vmem>>
    %dma_start3A_208 = arith.constant 0 : i32
    %dma_start3A_209 = tpu.memref_slice %arg7[%dma_start3A_204, %dma_start3A_208] : memref<26x128xi32, #tpu.memory_space<vmem>> -> memref<1x128xi32, #tpu.memory_space<vmem>>
    %dma_start3A_210 = tpu.memref_squeeze %dma_start3A_209 : memref<1x128xi32, #tpu.memory_space<vmem>> -> memref<128xi32, #tpu.memory_space<vmem>>
    %dma_start3A_211 = arith.constant 0 : i32
    %dma_start3A_212 = arith.constant 0 : i32
    %dma_start3A_213 = tpu.memref_slice %arg5[%dma_start3A_211, %dma_start3A_212] : memref<106496x128xf32, #tpu.memory_space<hbm>> -> memref<106496x128xf32, #tpu.memory_space<hbm>>
    tpu.enqueue_indirect_dma source(%dma_start3A_207 : memref<128x128xf32, #tpu.memory_space<vmem>>) target(%dma_start3A_213 : memref<106496x128xf32, #tpu.memory_space<hbm>>) offsets(%dma_start3A_210 : memref<128xi32, #tpu.memory_space<vmem>>) semaphore(%arg16 : memref<!tpu.dma_semaphore, #tpu.memory_space<semaphore_mem>>)
    %dma_start3A_214 = arith.constant 23 : i32
    %dma_start3A_215 = arith.constant 128 : i32
    %dma_start3A_216 = arith.constant 0 : i32
    %dma_start3A_217 = tpu.memref_slice %arg10[%dma_start3A_215, %dma_start3A_216] : memref<256x128xf32, #tpu.memory_space<vmem>> -> memref<128x128xf32, #tpu.memory_space<vmem>>
    %dma_start3A_218 = arith.constant 0 : i32
    %dma_start3A_219 = tpu.memref_slice %arg7[%dma_start3A_214, %dma_start3A_218] : memref<26x128xi32, #tpu.memory_space<vmem>> -> memref<1x128xi32, #tpu.memory_space<vmem>>
    %dma_start3A_220 = tpu.memref_squeeze %dma_start3A_219 : memref<1x128xi32, #tpu.memory_space<vmem>> -> memref<128xi32, #tpu.memory_space<vmem>>
    %dma_start3A_221 = arith.constant 0 : i32
    %dma_start3A_222 = arith.constant 0 : i32
    %dma_start3A_223 = tpu.memref_slice %arg5[%dma_start3A_221, %dma_start3A_222] : memref<106496x128xf32, #tpu.memory_space<hbm>> -> memref<106496x128xf32, #tpu.memory_space<hbm>>
    tpu.enqueue_indirect_dma source(%dma_start3A_217 : memref<128x128xf32, #tpu.memory_space<vmem>>) target(%dma_start3A_223 : memref<106496x128xf32, #tpu.memory_space<hbm>>) offsets(%dma_start3A_220 : memref<128xi32, #tpu.memory_space<vmem>>) semaphore(%arg16 : memref<!tpu.dma_semaphore, #tpu.memory_space<semaphore_mem>>)
    %dma_wait3A_224 = arith.constant 20 : i32
    %dma_wait3A_225 = arith.constant 0 : i32
    %dma_wait3A_226 = arith.constant 0 : i32
    %dma_wait3A_227 = tpu.memref_slice %arg9[%dma_wait3A_225, %dma_wait3A_226] : memref<256x128xf32, #tpu.memory_space<vmem>> -> memref<128x128xf32, #tpu.memory_space<vmem>>
    %dma_wait3A_228 = arith.constant 0 : i32
    %dma_wait3A_229 = tpu.memref_slice %arg7[%dma_wait3A_224, %dma_wait3A_228] : memref<26x128xi32, #tpu.memory_space<vmem>> -> memref<1x128xi32, #tpu.memory_space<vmem>>
    %dma_wait3A_230 = tpu.memref_squeeze %dma_wait3A_229 : memref<1x128xi32, #tpu.memory_space<vmem>> -> memref<128xi32, #tpu.memory_space<vmem>>
    %dma_wait3A_231 = arith.constant 0 : i32
    %dma_wait3A_232 = arith.constant 0 : i32
    %dma_wait3A_233 = tpu.memref_slice %arg5[%dma_wait3A_231, %dma_wait3A_232] : memref<106496x128xf32, #tpu.memory_space<hbm>> -> memref<106496x128xf32, #tpu.memory_space<hbm>>
    tpu.wait_indirect_dma semaphore(%arg15 : memref<!tpu.dma_semaphore, #tpu.memory_space<semaphore_mem>>) src(%dma_wait3A_227 : memref<128x128xf32, #tpu.memory_space<vmem>>) dst(%dma_wait3A_233 : memref<106496x128xf32, #tpu.memory_space<hbm>>)
    %dma_wait3A_234 = arith.constant 21 : i32
    %dma_wait3A_235 = arith.constant 128 : i32
    %dma_wait3A_236 = arith.constant 0 : i32
    %dma_wait3A_237 = tpu.memref_slice %arg9[%dma_wait3A_235, %dma_wait3A_236] : memref<256x128xf32, #tpu.memory_space<vmem>> -> memref<128x128xf32, #tpu.memory_space<vmem>>
    %dma_wait3A_238 = arith.constant 0 : i32
    %dma_wait3A_239 = tpu.memref_slice %arg7[%dma_wait3A_234, %dma_wait3A_238] : memref<26x128xi32, #tpu.memory_space<vmem>> -> memref<1x128xi32, #tpu.memory_space<vmem>>
    %dma_wait3A_240 = tpu.memref_squeeze %dma_wait3A_239 : memref<1x128xi32, #tpu.memory_space<vmem>> -> memref<128xi32, #tpu.memory_space<vmem>>
    %dma_wait3A_241 = arith.constant 0 : i32
    %dma_wait3A_242 = arith.constant 0 : i32
    %dma_wait3A_243 = tpu.memref_slice %arg5[%dma_wait3A_241, %dma_wait3A_242] : memref<106496x128xf32, #tpu.memory_space<hbm>> -> memref<106496x128xf32, #tpu.memory_space<hbm>>
    tpu.wait_indirect_dma semaphore(%arg15 : memref<!tpu.dma_semaphore, #tpu.memory_space<semaphore_mem>>) src(%dma_wait3A_237 : memref<128x128xf32, #tpu.memory_space<vmem>>) dst(%dma_wait3A_243 : memref<106496x128xf32, #tpu.memory_space<hbm>>)
    %dma_wait3A_244 = arith.constant 24 : i32
    %dma_wait3A_245 = arith.constant 0 : i32
    %dma_wait3A_246 = arith.constant 0 : i32
    %dma_wait3A_247 = tpu.memref_slice %arg8[%dma_wait3A_245, %dma_wait3A_246] : memref<256x128xf32, #tpu.memory_space<vmem>> -> memref<128x128xf32, #tpu.memory_space<vmem>>
    %dma_wait3A_248 = arith.constant 0 : i32
    %dma_wait3A_249 = tpu.memref_slice %arg6[%dma_wait3A_244, %dma_wait3A_248] : memref<26x128xi32, #tpu.memory_space<vmem>> -> memref<1x128xi32, #tpu.memory_space<vmem>>
    %dma_wait3A_250 = tpu.memref_squeeze %dma_wait3A_249 : memref<1x128xi32, #tpu.memory_space<vmem>> -> memref<128xi32, #tpu.memory_space<vmem>>
    %dma_wait3A_251 = arith.constant 0 : i32
    %dma_wait3A_252 = arith.constant 0 : i32
    %dma_wait3A_253 = tpu.memref_slice %arg2[%dma_wait3A_251, %dma_wait3A_252] : memref<100000x128xf32, #tpu.memory_space<hbm>> -> memref<100000x128xf32, #tpu.memory_space<hbm>>
    tpu.wait_indirect_dma semaphore(%arg11 : memref<!tpu.dma_semaphore, #tpu.memory_space<semaphore_mem>>) src(%dma_wait3A_253 : memref<100000x128xf32, #tpu.memory_space<hbm>>) dst(%dma_wait3A_247 : memref<128x128xf32, #tpu.memory_space<vmem>>)
    %dma_wait3A_254 = arith.constant 25 : i32
    %dma_wait3A_255 = arith.constant 128 : i32
    %dma_wait3A_256 = arith.constant 0 : i32
    %dma_wait3A_257 = tpu.memref_slice %arg8[%dma_wait3A_255, %dma_wait3A_256] : memref<256x128xf32, #tpu.memory_space<vmem>> -> memref<128x128xf32, #tpu.memory_space<vmem>>
    %dma_wait3A_258 = arith.constant 0 : i32
    %dma_wait3A_259 = tpu.memref_slice %arg6[%dma_wait3A_254, %dma_wait3A_258] : memref<26x128xi32, #tpu.memory_space<vmem>> -> memref<1x128xi32, #tpu.memory_space<vmem>>
    %dma_wait3A_260 = tpu.memref_squeeze %dma_wait3A_259 : memref<1x128xi32, #tpu.memory_space<vmem>> -> memref<128xi32, #tpu.memory_space<vmem>>
    %dma_wait3A_261 = arith.constant 0 : i32
    %dma_wait3A_262 = arith.constant 0 : i32
    %dma_wait3A_263 = tpu.memref_slice %arg2[%dma_wait3A_261, %dma_wait3A_262] : memref<100000x128xf32, #tpu.memory_space<hbm>> -> memref<100000x128xf32, #tpu.memory_space<hbm>>
    tpu.wait_indirect_dma semaphore(%arg11 : memref<!tpu.dma_semaphore, #tpu.memory_space<semaphore_mem>>) src(%dma_wait3A_263 : memref<100000x128xf32, #tpu.memory_space<hbm>>) dst(%dma_wait3A_257 : memref<128x128xf32, #tpu.memory_space<vmem>>)
    %dma_start3A_264 = arith.constant 24 : i32
    %dma_start3A_265 = arith.constant 0 : i32
    %dma_start3A_266 = arith.constant 0 : i32
    %dma_start3A_267 = tpu.memref_slice %arg8[%dma_start3A_265, %dma_start3A_266] : memref<256x128xf32, #tpu.memory_space<vmem>> -> memref<128x128xf32, #tpu.memory_space<vmem>>
    %dma_start3A_268 = arith.constant 0 : i32
    %dma_start3A_269 = tpu.memref_slice %arg7[%dma_start3A_264, %dma_start3A_268] : memref<26x128xi32, #tpu.memory_space<vmem>> -> memref<1x128xi32, #tpu.memory_space<vmem>>
    %dma_start3A_270 = tpu.memref_squeeze %dma_start3A_269 : memref<1x128xi32, #tpu.memory_space<vmem>> -> memref<128xi32, #tpu.memory_space<vmem>>
    %dma_start3A_271 = arith.constant 0 : i32
    %dma_start3A_272 = arith.constant 0 : i32
    %dma_start3A_273 = tpu.memref_slice %arg5[%dma_start3A_271, %dma_start3A_272] : memref<106496x128xf32, #tpu.memory_space<hbm>> -> memref<106496x128xf32, #tpu.memory_space<hbm>>
    tpu.enqueue_indirect_dma source(%dma_start3A_267 : memref<128x128xf32, #tpu.memory_space<vmem>>) target(%dma_start3A_273 : memref<106496x128xf32, #tpu.memory_space<hbm>>) offsets(%dma_start3A_270 : memref<128xi32, #tpu.memory_space<vmem>>) semaphore(%arg14 : memref<!tpu.dma_semaphore, #tpu.memory_space<semaphore_mem>>)
    %dma_start3A_274 = arith.constant 25 : i32
    %dma_start3A_275 = arith.constant 128 : i32
    %dma_start3A_276 = arith.constant 0 : i32
    %dma_start3A_277 = tpu.memref_slice %arg8[%dma_start3A_275, %dma_start3A_276] : memref<256x128xf32, #tpu.memory_space<vmem>> -> memref<128x128xf32, #tpu.memory_space<vmem>>
    %dma_start3A_278 = arith.constant 0 : i32
    %dma_start3A_279 = tpu.memref_slice %arg7[%dma_start3A_274, %dma_start3A_278] : memref<26x128xi32, #tpu.memory_space<vmem>> -> memref<1x128xi32, #tpu.memory_space<vmem>>
    %dma_start3A_280 = tpu.memref_squeeze %dma_start3A_279 : memref<1x128xi32, #tpu.memory_space<vmem>> -> memref<128xi32, #tpu.memory_space<vmem>>
    %dma_start3A_281 = arith.constant 0 : i32
    %dma_start3A_282 = arith.constant 0 : i32
    %dma_start3A_283 = tpu.memref_slice %arg5[%dma_start3A_281, %dma_start3A_282] : memref<106496x128xf32, #tpu.memory_space<hbm>> -> memref<106496x128xf32, #tpu.memory_space<hbm>>
    tpu.enqueue_indirect_dma source(%dma_start3A_277 : memref<128x128xf32, #tpu.memory_space<vmem>>) target(%dma_start3A_283 : memref<106496x128xf32, #tpu.memory_space<hbm>>) offsets(%dma_start3A_280 : memref<128xi32, #tpu.memory_space<vmem>>) semaphore(%arg14 : memref<!tpu.dma_semaphore, #tpu.memory_space<semaphore_mem>>)
    %dma_wait3A_284 = arith.constant 22 : i32
    %dma_wait3A_285 = arith.constant 0 : i32
    %dma_wait3A_286 = arith.constant 0 : i32
    %dma_wait3A_287 = tpu.memref_slice %arg10[%dma_wait3A_285, %dma_wait3A_286] : memref<256x128xf32, #tpu.memory_space<vmem>> -> memref<128x128xf32, #tpu.memory_space<vmem>>
    %dma_wait3A_288 = arith.constant 0 : i32
    %dma_wait3A_289 = tpu.memref_slice %arg7[%dma_wait3A_284, %dma_wait3A_288] : memref<26x128xi32, #tpu.memory_space<vmem>> -> memref<1x128xi32, #tpu.memory_space<vmem>>
    %dma_wait3A_290 = tpu.memref_squeeze %dma_wait3A_289 : memref<1x128xi32, #tpu.memory_space<vmem>> -> memref<128xi32, #tpu.memory_space<vmem>>
    %dma_wait3A_291 = arith.constant 0 : i32
    %dma_wait3A_292 = arith.constant 0 : i32
    %dma_wait3A_293 = tpu.memref_slice %arg5[%dma_wait3A_291, %dma_wait3A_292] : memref<106496x128xf32, #tpu.memory_space<hbm>> -> memref<106496x128xf32, #tpu.memory_space<hbm>>
    tpu.wait_indirect_dma semaphore(%arg16 : memref<!tpu.dma_semaphore, #tpu.memory_space<semaphore_mem>>) src(%dma_wait3A_287 : memref<128x128xf32, #tpu.memory_space<vmem>>) dst(%dma_wait3A_293 : memref<106496x128xf32, #tpu.memory_space<hbm>>)
    %dma_wait3A_294 = arith.constant 23 : i32
    %dma_wait3A_295 = arith.constant 128 : i32
    %dma_wait3A_296 = arith.constant 0 : i32
    %dma_wait3A_297 = tpu.memref_slice %arg10[%dma_wait3A_295, %dma_wait3A_296] : memref<256x128xf32, #tpu.memory_space<vmem>> -> memref<128x128xf32, #tpu.memory_space<vmem>>
    %dma_wait3A_298 = arith.constant 0 : i32
    %dma_wait3A_299 = tpu.memref_slice %arg7[%dma_wait3A_294, %dma_wait3A_298] : memref<26x128xi32, #tpu.memory_space<vmem>> -> memref<1x128xi32, #tpu.memory_space<vmem>>
    %dma_wait3A_300 = tpu.memref_squeeze %dma_wait3A_299 : memref<1x128xi32, #tpu.memory_space<vmem>> -> memref<128xi32, #tpu.memory_space<vmem>>
    %dma_wait3A_301 = arith.constant 0 : i32
    %dma_wait3A_302 = arith.constant 0 : i32
    %dma_wait3A_303 = tpu.memref_slice %arg5[%dma_wait3A_301, %dma_wait3A_302] : memref<106496x128xf32, #tpu.memory_space<hbm>> -> memref<106496x128xf32, #tpu.memory_space<hbm>>
    tpu.wait_indirect_dma semaphore(%arg16 : memref<!tpu.dma_semaphore, #tpu.memory_space<semaphore_mem>>) src(%dma_wait3A_297 : memref<128x128xf32, #tpu.memory_space<vmem>>) dst(%dma_wait3A_303 : memref<106496x128xf32, #tpu.memory_space<hbm>>)
    %dma_wait3A_304 = arith.constant 24 : i32
    %dma_wait3A_305 = arith.constant 0 : i32
    %dma_wait3A_306 = arith.constant 0 : i32
    %dma_wait3A_307 = tpu.memref_slice %arg8[%dma_wait3A_305, %dma_wait3A_306] : memref<256x128xf32, #tpu.memory_space<vmem>> -> memref<128x128xf32, #tpu.memory_space<vmem>>
    %dma_wait3A_308 = arith.constant 0 : i32
    %dma_wait3A_309 = tpu.memref_slice %arg7[%dma_wait3A_304, %dma_wait3A_308] : memref<26x128xi32, #tpu.memory_space<vmem>> -> memref<1x128xi32, #tpu.memory_space<vmem>>
    %dma_wait3A_310 = tpu.memref_squeeze %dma_wait3A_309 : memref<1x128xi32, #tpu.memory_space<vmem>> -> memref<128xi32, #tpu.memory_space<vmem>>
    %dma_wait3A_311 = arith.constant 0 : i32
    %dma_wait3A_312 = arith.constant 0 : i32
    %dma_wait3A_313 = tpu.memref_slice %arg5[%dma_wait3A_311, %dma_wait3A_312] : memref<106496x128xf32, #tpu.memory_space<hbm>> -> memref<106496x128xf32, #tpu.memory_space<hbm>>
    tpu.wait_indirect_dma semaphore(%arg14 : memref<!tpu.dma_semaphore, #tpu.memory_space<semaphore_mem>>) src(%dma_wait3A_307 : memref<128x128xf32, #tpu.memory_space<vmem>>) dst(%dma_wait3A_313 : memref<106496x128xf32, #tpu.memory_space<hbm>>)
    %dma_wait3A_314 = arith.constant 25 : i32
    %dma_wait3A_315 = arith.constant 128 : i32
    %dma_wait3A_316 = arith.constant 0 : i32
    %dma_wait3A_317 = tpu.memref_slice %arg8[%dma_wait3A_315, %dma_wait3A_316] : memref<256x128xf32, #tpu.memory_space<vmem>> -> memref<128x128xf32, #tpu.memory_space<vmem>>
    %dma_wait3A_318 = arith.constant 0 : i32
    %dma_wait3A_319 = tpu.memref_slice %arg7[%dma_wait3A_314, %dma_wait3A_318] : memref<26x128xi32, #tpu.memory_space<vmem>> -> memref<1x128xi32, #tpu.memory_space<vmem>>
    %dma_wait3A_320 = tpu.memref_squeeze %dma_wait3A_319 : memref<1x128xi32, #tpu.memory_space<vmem>> -> memref<128xi32, #tpu.memory_space<vmem>>
    %dma_wait3A_321 = arith.constant 0 : i32
    %dma_wait3A_322 = arith.constant 0 : i32
    %dma_wait3A_323 = tpu.memref_slice %arg5[%dma_wait3A_321, %dma_wait3A_322] : memref<106496x128xf32, #tpu.memory_space<hbm>> -> memref<106496x128xf32, #tpu.memory_space<hbm>>
    tpu.wait_indirect_dma semaphore(%arg14 : memref<!tpu.dma_semaphore, #tpu.memory_space<semaphore_mem>>) src(%dma_wait3A_317 : memref<128x128xf32, #tpu.memory_space<vmem>>) dst(%dma_wait3A_323 : memref<106496x128xf32, #tpu.memory_space<hbm>>)
    return
  }
}

</mosaic_0001>

<sc_bundles>
// kernel: kernel.3.cloned.1.call-start
scs
__scs_entry_jumppad:
0x0: {  	(pc) =	sbr.rel $0x88, $3  }
0x1: {  	(tag) =	ssettag $0x0;
	lr =	simm.s32 $0x1  }
0x2: {  	[smem:$0x3F9F] =	sst lr;
	_ =	strace $0xD0000000  }
0x3: {  	_ = 	snop  }
0x4: {  	_ = 	snop  }
0x5: {  	_ = 	snop  }
0x6: {  	_ = 	snop  }
0x7: {  	_ = 	snop  }
__scs_overlays_trampoline_lowered:
0x8: {  	[smem:$0x3FAE] =	sst s0  }
0x9: {  	[smem:$0x3FAF] =	sst s1  }
0xa: {  	[smem:$0x3FB0] =	sst s2  }
0xb: {  	[smem:$0x3FB1] =	sst s3  }
0xc: {  	[smem:$0x3FB2] =	sst s4  }
0xd: {  	[smem:$0x3FB3] =	sst s5  }
0xe: {  	[smem:$0x3FB4] =	sst s6  }
0xf: {  	[smem:$0x3FB5] =	sst s7  }
0x10: {  	[smem:$0x3FB6] =	sst s8  }
0x11: {  	[smem:$0x3FB7] =	sst s9;
	s0 =	simm.s32 @!p0 $0x0  }
0x12: {  	s1 =	sld [smem:$0x3F9D];
	s0 =	simm.s32 @p0 $0x1  }
0x13: {  	[smem:$0x3FB8] =	sst s0;
	s0 =	simm.s32 @!p1 $0x0  }
0x14: {  	s2 =	sld [smem:$0x3F9C];
	s0 =	simm.s32 @p1 $0x1  }
0x15: {  	[smem:$0x3FB9] =	sst s0;
	s0 =	simm.s32 @!p2 $0x0  }
0x16: {  	s3 =	sld [smem:$0x3FDB];
	s0 =	simm.s32 @p2 $0x1  }
0x17: {  	s4 =	simm.s32 $0x1BF5;
	[smem:$0x3FBB] =	sst s0  }
0x18: {  	s0 =	sld [smem:$0x3F9E];
	_ =	swait.ge [sflag:s4], $0x0  }
0x19: {  	s7 =	sld [smem:$0x3F9F]  }
0x1a: {  	s8 =	sadd.s32 $0xFFFFE003, lr  }
0x1b: {  	s9 =	sadd.s32 $0xFFFFFEF7, lr;
	s5 =	simm.s32 $0xFFFFFFFF;
	p2 =	slt.u32 s8, $0xFFFFF086  }
0x1c: {  	p1 =	slt.u32 s9, $0xF7A;
	s5 =	simm.s32 @!p2 $0x0  }
0x1d: {  	s5 =	simm.s32 @p1 $0x1;
	p0 =	seq.s32 s7, s2  }
0x1e: {  	s7 =	smul.u32 @!p0 $0xF7A, s2;
	p2 =	seq.s32 @!p0 s5, $0x0  }
0x1f: {  	s9 =	smul.u32 $0xF7A, s1;
	s8 =	simm.s32 @!p0 $0x1BF5;
	p2 =	por !p2, p0  }
0x20: {  	[sflag:s8] =	ssyncset.s32 @!p0 $0xFFFFF086;
	s6 =	sadd.s32 @!p0 s3, s7;
	s7 =	simm.s32 @!p0 $0x108  }
0x21: {  	s3 =	sadd.s32 s3, s9;
	s6 =	sadd.s32 @!p0 $0x88, s6;
	s7 =	simm.s32 @p2 $0x1082  }
0x22: {  	[simem:s7], [sflag:s8] =	dma.local @!p0 [hbm:s6], $0xF7A  }
0x23: {  	s9 =	sor.u32 $0xD0000000, s2;
	s6 =	simm.s32 $0x108;
	_ =	swait.ge @!p0 [sflag:s8], $0x0  }
0x24: {  	s3 =	sadd.s32 $0x88, s3;
	s6 =	simm.s32 @!p1 $0x1082;
	[sflag:s4] =	ssyncset.s32 $0xFFFFF086  }
0x25: {  	[simem:s6], [sflag:s4] =	dma.local [hbm:s3], $0xF7A  }
0x26: {  	[smem:$0x3F9F] =	sst s1;
	(tag) =	ssettag s2;
	_ =	strace s9  }
0x27: {  	s1 =	sld [smem:$0x3FAF]  }
0x28: {  	s2 =	sld [smem:$0x3FB0]  }
0x29: {  	s4 =	sld [smem:$0x3FB2]  }
0x2a: {  	p0 =	seq.s32 s5, $0x0;
	s5 =	sld [smem:$0x3FB3]  }
0x2b: {  	s6 =	sld [smem:$0x3FB4]  }
0x2c: {  	s7 =	sld [smem:$0x3FB5]  }
0x2d: {  	s3 =	simm.s32 $0x108;
	s8 =	sld [smem:$0x3FB6]  }
0x2e: {  	s3 =	simm.s32 @!p0 $0x1082;
	s9 =	sld [smem:$0x3FB7]  }
0x2f: {  	lr =	sadd.s32 s0, s3;
	s0 =	sld [smem:$0x3FAE]  }
0x30: {  	s3 =	sld [smem:$0x3FB1]  }
0x31: {  	[smem:$0x3FBA] =	sst s10  }
0x32: {  	s10 =	sld [smem:$0x3FB8];
	_ =	sdelay $0x3  }
0x33: {  	p0 =	seq.s32 s10, $0x1;
	s10 =	sld [smem:$0x3FBA];
	_ =	sdelay $0x3  }
0x34: {  	[smem:$0x3FBA] =	sst s10  }
0x35: {  	s10 =	sld [smem:$0x3FB9];
	_ =	sdelay $0x3  }
0x36: {  	p1 =	seq.s32 s10, $0x1;
	s10 =	sld [smem:$0x3FBA];
	_ =	sdelay $0x3  }
0x37: {  	[smem:$0x3FBA] =	sst s10  }
0x38: {  	s10 =	sld [smem:$0x3FBB]  }
0x39: {  	_ = 	snop;
	(pc) =	sbr.ind lr, $3  }
0x3a: {  	_ = 	snop  }
0x3b: {  	_ = 	snop  }
0x3c: {  	p2 =	seq.s32 s10, $0x1;
	s10 =	sld [smem:$0x3FBA]  }
0x3d: {  	_ =	shalt  }
0x3e: {  	_ =	shalt  }
0x3f: {  	_ =	shalt  }
0x40: {  	_ =	shalt  }
0x41: {  	_ =	shalt  }
0x42: {  	_ =	shalt  }
0x43: {  	_ =	shalt  }
0x44: {  	_ =	shalt  }
0x45: {  	_ =	shalt  }
0x46: {  	_ =	shalt  }
0x47: {  	_ =	shalt  }
0x48: {  	_ =	shalt  }
0x49: {  	_ =	shalt  }
0x4a: {  	_ =	shalt  }
0x4b: {  	_ =	shalt  }
0x4c: {  	_ =	shalt  }
0x4d: {  	_ =	shalt  }
0x4e: {  	_ =	shalt  }
0x4f: {  	_ =	shalt  }
0x50: {  	_ =	shalt  }
0x51: {  	_ =	shalt  }
0x52: {  	_ =	shalt  }
0x53: {  	_ =	shalt  }
0x54: {  	_ =	shalt  }
0x55: {  	_ =	shalt  }
0x56: {  	_ =	shalt  }
0x57: {  	_ =	shalt  }
0x58: {  	_ =	shalt  }
0x59: {  	_ =	shalt  }
0x5a: {  	_ =	shalt  }
0x5b: {  	_ =	shalt  }
0x5c: {  	_ =	shalt  }
0x5d: {  	_ =	shalt  }
0x5e: {  	_ =	shalt  }
0x5f: {  	_ =	shalt  }
0x60: {  	_ =	shalt  }
0x61: {  	_ =	shalt  }
0x62: {  	_ =	shalt  }
0x63: {  	_ =	shalt  }
0x64: {  	_ =	shalt  }
0x65: {  	_ =	shalt  }
0x66: {  	_ =	shalt  }
0x67: {  	_ =	shalt  }
0x68: {  	_ =	shalt  }
0x69: {  	_ =	shalt  }
0x6a: {  	_ =	shalt  }
0x6b: {  	_ =	shalt  }
0x6c: {  	_ =	shalt  }
0x6d: {  	_ =	shalt  }
0x6e: {  	_ =	shalt  }
0x6f: {  	_ =	shalt  }
0x70: {  	_ =	shalt  }
0x71: {  	_ =	shalt  }
0x72: {  	_ =	shalt  }
0x73: {  	_ =	shalt  }
0x74: {  	_ =	shalt  }
0x75: {  	_ =	shalt  }
0x76: {  	_ =	shalt  }
0x77: {  	_ =	shalt  }
0x78: {  	_ =	shalt  }
0x79: {  	_ =	shalt  }
0x7a: {  	_ =	shalt  }
0x7b: {  	_ =	shalt  }
0x7c: {  	_ =	shalt  }
0x7d: {  	_ =	shalt  }
0x7e: {  	_ =	shalt  }
0x7f: {  	_ =	shalt  }
0x80: {  	_ =	shalt  }
0x81: {  	_ =	shalt  }
0x82: {  	_ =	shalt  }
0x83: {  	_ =	shalt  }
0x84: {  	_ =	shalt  }
0x85: {  	_ =	shalt  }
0x86: {  	_ =	shalt  }
0x87: {  	_ =	shalt  }
.Lfunc_end0:
.L_simem_size_0:
called_computation_lowered:
.L_overlay_start_0:
0x88: {  	s2 =	sld [smem:$0x3FD9]  }
0x89: {  	s3 =	sld [smem:$0x3FFE];
	_ =	sdelay $0x1  }
0x8a: {  	s1 =	srdreg.scid  }
0x8b: {  	s0 =	sand.u32 $0x1, s1  }
0x8c: {  	s17 =	sshll.u32 s0, $0xA;
	s2 =	sadd.s32 s3, s2  }
0x8d: {  	s2 =	sadd.s32 s2, s17  }
0x8e: {  	[smem:$0x3FC6] =	sst s2  }
0x8f: {  	_ = 	snop  }
0x90: {  	s2 =	sld [smem:$0x3FC8]  }
0x91: {  	s18 =	sld [smem:$0x3FD0];
	(tm) =	ssettm $0x1  }
0x92: {  	s4 =	sld [smem:$0x3FFB];
	_ =	sdelay $0x3  }
0x93: {  	_ =	strace s4  }
0x94: {  	s4 =	sld [smem:$0x3FFC];
	_ =	sdelay $0x3  }
0x95: {  	_ =	strace s4  }
0x96: {  	s4 =	sld [smem:$0x3FFD];
	_ =	sdelay $0x3  }
0x97: {  	_ =	strace s4  }
0x98: {  	_ =	strace $0x8FFFFFFF  }
0x99: {  	s19 =	sld [smem:$0x3FDB];
	_ =	sdelay $0x1  }
0x9a: {  	s5 =	simm.s32 $_scs_section_size  }
0x9b: {  	s6 =	simm.s32 $_size__tile_overlayer_lowered;
	s7 =	simm.s32 $_tile_overlayer_lowered  }
0x9c: {  	s22 =	simm.s32 $0x1BFF;
	s21 =	sshll.u32 s7, $0x1;
	s4 =	sadd.s32 s5, s19  }
0x9d: {  	s8 =	simm.s32 $0x0;
	s20 =	sshll.u32 s6, $0x1;
	s6 =	sadd.s32 s21, s4  }
0x9e: {  	[timem:s8], [sflag:s22] =	dma.local [hbm:s6], s20  }
0x9f: {  	_ =	swait.ge [sflag:s22], s20  }
0xa0: {  	s5 =	ssub.s32 $0x0, s20;
	[sflag:s22] =	ssyncset.done $0x0  }
0xa1: {  	[sflag:s22] =	ssyncadd.s32 s5;
	_ =	sdelay $0x1  }
0xa2: {  	s23 =	simm.s32 $0x1B8B  }
0xa3: {  	_ =	swait.ge [sflag:s23], $0x1  }
0xa4: {  	[sflag:s23] =	ssyncset.done $0x0  }
0xa5: {  	s25 =	simm.s32 $0x1B8E;
	s24 =	sld [smem:$0x3FFE];
	[sflag:s23] =	ssyncadd.s32 $0xFFFFFFFF  }
0xa6: {  	s26 =	simm.s32 $execute0_lowered;
	[smem:$0x3FD2] =	sst s25  }
0xa7: {  	s6 =	sshll.u32 s26, $0x1;
	_ =	strace $0x80000046;
	[dreg:$0x1] =	wrdreg $0xFFFFFFFF  }
0xa8: {  	s28 =	simm.s32 $_size_execute0_lowered;
	s4 =	sadd.s32 s4, s6;
	[dreg:$0x0] =	wrdreg $0x0  }
0xa9: {  	s6 =	sshll.u32 s28, $0x1;
	[dreg:$0x2] =	wrdreg s4  }
0xaa: {  	[dreg:$0x3] =	wrdreg s6  }
0xab: {  	[dreg:$0x4] =	wrdreg $0xC0  }
0xac: {  	_ =	task [dreg:s8], $0x5FFFF  }
0xad: {  	[dreg:$0x1] =	wrdreg $0xFFFFFFFF  }
0xae: {  	[dreg:$0x0] =	wrdreg $0x60  }
0xaf: {  	[dreg:$0x2] =	wrdreg s2  }
0xb0: {  	[dreg:$0x3] =	wrdreg s24  }
0xb1: {  	[dreg:$0x4] =	wrdreg s18  }
0xb2: {  	[dreg:$0x5] =	wrdreg $0x9  }
0xb3: {  	_ =	task.clear_ibuf [dreg:s8], $0x6FFFF;
	_ =	strace $0x90000046  }
0xb4: {  	s29 =	simm.s32 $0x9;
	_ =	strace $0x80000048  }
0xb5: {  	_ =	swait.ge [sflag:s29], $0x1  }
0xb6: {  	[sflag:s29] =	ssyncadd.s32 $0xFFFFFFFF  }
0xb7: {  	_ =	strace $0x90000048  }
0xb8: {  	_ =	sfence  }
0xb9: {  	s30 =	sld [smem:$0x0];
	_ =	sdelay $0x2  }
0xba: {  	s31 =	sshll.u32 s1, $0xD;
	s1 =	sshrl.u32 s1, $0x2  }
0xbb: {  	s3 =	sand.u32 $0x4000, s31;
	s1 =	sadd.s32 s1, s30  }
0xbc: {  	s0 =	sor.u32 s3, s0;
	s1 =	sshll.u32 s1, $0x11  }
0xbd: {  	s0 =	sor.u32 s1, s0  }
0xbe: {  	s0 =	sadd.s32 $0x8F2B, s0  }
0xbf: {  	[sflag:s0] =	ssyncadd.remote.s32 $0x1  }
0xc0: {  	_ =	sfence.sel $0xFFFF  }
0xc1: {  	[dreg:$0x0] =	wrdreg $0xFFFFFFFF;
	(pc) =	sbr.abs _section_cstart, $3  }
0xc2: {  	[dreg:$0x1] =	wrdreg $0xFFFFFFFF  }
0xc3: {  	_ =	task.clear_ibuf [dreg:s8], $0x2FFFF;
	_ =	strace $0x9FFFFFFF  }
0xc4: {  	(tm) =	ssettm $0x7FFFFFFF  }
0xc5: {  	_ =	shalt  }
tec
execute0_lowered:
.L_overlay_start_1:
0x0: {  	(tag) =	ssettag $0x1  }
0x1: {  	s3 =	rddreg [dreg:$0x0]  }
0x2: {  	s1 =	rddreg [dreg:$0x1]  }
0x3: {  	s2 =	rddreg [dreg:$0x2];
	s29 =	simm.s32 $0x0  }
0x4: {  	s9 =	simm.s32 $0x100;
	[smem:$0x7FF] =	sst s29  }
0x5: {  	s10 =	simm.s32 $0x180;
	_ =	strace $0x80000047;
	[dreg:$0x6] =	wrdreg s9  }
0x6: {  	s11 =	simm.s32 $0x1080;
	[dreg:$0x7] =	wrdreg s10  }
0x7: {  	s12 =	simm.s32 $0x200;
	[dreg:$0x8] =	wrdreg s11  }
0x8: {  	s13 =	simm.s32 $0x280;
	[dreg:$0x9] =	wrdreg s12  }
0x9: {  	s14 =	simm.s32 $0x1100;
	[dreg:$0xa] =	wrdreg s13  }
0xa: {  	s15 =	simm.s32 $0x1180;
	[dreg:$0xb] =	wrdreg s14  }
0xb: {  	s17 =	simm.s32 $0x300;
	[dreg:$0xc] =	wrdreg s15  }
0xc: {  	s18 =	simm.s32 $0x380;
	[dreg:$0xd] =	wrdreg s17  }
0xd: {  	s19 =	simm.s32 $0x1200;
	[dreg:$0xe] =	wrdreg s18  }
0xe: {  	s20 =	simm.s32 $0x1280;
	[dreg:$0xf] =	wrdreg s19  }
0xf: {  	s21 =	simm.s32 $0x400;
	[dreg:$0x10] =	wrdreg s20  }
0x10: {  	s22 =	simm.s32 $0x480;
	[dreg:$0x11] =	wrdreg s21  }
0x11: {  	s0 =	srdreg.scid;
	s23 =	simm.s32 $0x1300;
	[dreg:$0x12] =	wrdreg s22  }
0x12: {  	s16 =	stileid.u32;
	s24 =	simm.s32 $0x1380;
	[dreg:$0x13] =	wrdreg s23  }
0x13: {  	s25 =	simm.s32 $0x500;
	s26 =	simm.s32 $0x580;
	[dreg:$0x14] =	wrdreg s24  }
0x14: {  	s6 =	simm.s32 $0x600;
	s7 =	simm.s32 $0x680;
	[dreg:$0x15] =	wrdreg s25  }
0x15: {  	s8 =	simm.s32 $0x1500;
	s31 =	simm.s32 $0x7;
	[dreg:$0x16] =	wrdreg s26  }
0x16: {  	s30 =	simm.s32 $0x1000;
	s28 =	simm.s32 $0xB80;
	[dreg:$0x19] =	wrdreg s6  }
0x17: {  	p0 =	por $0x0, $0x0;
	s0 =	sand.u32 $0x1, s0;
	[dreg:$0x1a] =	wrdreg s7  }
0x18: {  	s4 =	sshll.u32 s16, $0xA;
	[dreg:$0x1b] =	wrdreg s8;
	s10 =	simm.s32 $0x1580  }
0x19: {  	s5 =	sshll.u32 s0, $0x9;
	s11 =	simm.s32 $0x700;
	[dreg:$0x1c] =	wrdreg s10  }
0x1a: {  	s0 =	ssub.s32 $0x2, s0;
	s12 =	simm.s32 $0x780;
	[dreg:$0x1d] =	wrdreg s11  }
0x1b: {  	s13 =	simm.s32 $0x1600;
	s14 =	simm.s32 $0x1680;
	[dreg:$0x1e] =	wrdreg s12  }
0x1c: {  	s15 =	simm.s32 $0x800;
	s17 =	simm.s32 $0x880;
	[dreg:$0x1f] =	wrdreg s13  }
0x1d: {  	s6 =	simm.s32 $0x6000;
	s18 =	simm.s32 $0x1700;
	[smem:$0x7F2] =	sst s14  }
0x1e: {  	s19 =	simm.s32 $0x1780;
	s20 =	simm.s32 $0x900;
	[smem:$0x7F3] =	sst s15  }
0x1f: {  	s8 =	simm.s32 $0x1;
	s21 =	simm.s32 $0x980;
	[smem:$0x7F4] =	sst s17  }
0x20: {  	s22 =	simm.s32 $0x1800;
	s23 =	simm.s32 $0x1880;
	[smem:$0x7F5] =	sst s18  }
0x21: {  	s24 =	simm.s32 $0xA00;
	s7 =	simm.s32 $0x4;
	[smem:$0x7F6] =	sst s19  }
0x22: {  	s25 =	simm.s32 $0xA80;
	s26 =	simm.s32 $0x1900;
	[smem:$0x7F7] =	sst s20  }
0x23: {  	s4 =	sor.u32 s5, s4;
	s5 =	simm.s32 $0x1480;
	[smem:$0x7F8] =	sst s21  }
0x24: {  	s9 =	sshrl.u32 s0, $0x1;
	s12 =	simm.s32 $0xA000;
	[smem:$0x7F9] =	sst s22  }
0x25: {  	s14 =	simm.s32 $0xE000;
	s10 =	simm.s32 $0x12000;
	[smem:$0x7FA] =	sst s23  }
0x26: {  	s11 =	simm.s32 $0x16000;
	s18 =	simm.s32 $0x2;
	[smem:$0x7FB] =	sst s24  }
0x27: {  	s15 =	simm.s32 $0x3;
	[smem:$0x7FC] =	sst s25;
	s13 =	simm.s32 $0x5  }
0x28: {  	[smem:$0x7FD] =	sst s26;
	s24 =	simm.s32 $0x1980;
	s26 =	simm.s32 $0xB00  }
0x29: {  	s25 =	simm.s32 $0x1A80;
	s22 =	simm.s32 $0xC00;
	s0 =	ssub.s32 s0, s9  }
0x2a: {  	s23 =	simm.s32 $0xC80;
	s20 =	simm.s32 $0x1B00;
	s0 =	smax.u32 s0, $0x1  }
0x2b: {  	s21 =	simm.s32 $0x1B80;
	s1 =	sadd.s32 s4, s1;
	p1 =	sne.s32 s0, $0x1  }
.Ltmp0:
0x2c: {  	[dreg:$0x18] =	wrdreg s5;
	s4 =	sadd.s32 $0x4400, s1;
	(pc) =	sbr.rel @!p1 .LBB2_1-.Ltmp0, $4  }
0x2d: {  	s17 =	simm.s32 $0x1C00;
	s1 =	sadd.s32 $0x400, s1;
	[dreg:$0x4] =	wrdreg s4  }
0x2e: {  	s19 =	simm.s32 $0x1C80;
	[dreg:$0x5] =	wrdreg s1;
	s4 =	simm.s32 $0x1400  }
0x2f: {  	s5 =	simm.s32 $0x2000;
	s9 =	simm.s32 $0x6;
	[dreg:$0x17] =	wrdreg s4  }
0x30: {  	s1 =	sadd.s32 $0xFFFFFFFF, s0;
	s4 =	simm.s32 $0x80;
	s0 =	rddreg [dreg:$0x4]  }
0x31: {  	[tilespmem:s29], [sflag:$0x7] =	stream.linear.gather [hbm4b:s0+s29], $0xD00, $0x38;
	[tilespmem:$0x1A000] =	vst v63  }
0x32: {  	_ =	swait.ge [sflag:s31], $0xD00  }
0x33: {  	[sflag:s31] =	ssyncset.done $0x0  }
0x34: {  	s16 =	rddreg [dreg:$0x5];
	[sflag:s31] =	ssyncadd.s32 $0xFFFFF300  }
0x35: {  	[tilespmem:s30], [sflag:$0x7] =	stream.linear.gather [hbm4b:s16+s29], $0xD00, $0x38;
	[tilespmem:$0x1A000] =	vst v63  }
0x36: {  	_ =	swait.ge [sflag:s31], $0xD00  }
0x37: {  	[sflag:s31] =	ssyncset.done $0x0  }
0x38: {  	[sflag:s31] =	ssyncadd.s32 $0xFFFFF300  }
0x39: {  	[tilespmem:s5], [sflag:$0x1] =	stream.indirect.gather [hbm4b:s3+s4], $0x80, s29, s4, $0xb8;
	[tilespmem:$0x1A000] =	vst v63  }
0x3a: {  	_ = 	snop  }
0x3b: {  	[tilespmem:s6], [sflag:$0x1] =	stream.indirect.gather [hbm4b:s3+s4], $0x80, s4, s4, $0xb8;
	[tilespmem:$0x1A000] =	vst v63  }
0x3c: {  	s0 =	rddreg [dreg:$0x6]  }
0x3d: {  	[tilespmem:s12], [sflag:$0x2] =	stream.indirect.gather [hbm4b:s3+s4], $0x80, s0, s4, $0xb8;
	[tilespmem:$0x1A000] =	vst v63  }
0x3e: {  	s16 =	smov.u32 s1;
	s1 =	rddreg [dreg:$0x7]  }
0x3f: {  	[tilespmem:s14], [sflag:$0x2] =	stream.indirect.gather [hbm4b:s3+s4], $0x80, s1, s4, $0xb8;
	[tilespmem:$0x1A000] =	vst v63  }
0x40: {  	_ =	swait.ge [sflag:s8], $0x4000  }
0x41: {  	[sflag:s8] =	ssyncset.done $0x0  }
0x42: {  	[sflag:s8] =	ssyncadd.s32 $0xFFFFC000  }
0x43: {  	_ =	swait.ge [sflag:s8], $0x4000  }
0x44: {  	[sflag:s8] =	ssyncset.done $0x0  }
0x45: {  	[sflag:s8] =	ssyncadd.s32 $0xFFFFC000  }
0x46: {  	[hbm4b:s2+s4] =	stream.indirect.scatter [tilespmem:s5], [sflag:$0x4], $0x80, s30, s4, $0xb8;
	[tilespmem:$0x1A000] =	vst v63  }
0x47: {  	s0 =	rddreg [dreg:$0x8]  }
0x48: {  	[hbm4b:s2+s4] =	stream.indirect.scatter [tilespmem:s6], [sflag:$0x4], $0x80, s0, s4, $0xb8;
	[tilespmem:$0x1A000] =	vst v63  }
0x49: {  	s1 =	rddreg [dreg:$0x9]  }
0x4a: {  	[tilespmem:s10], [sflag:$0x3] =	stream.indirect.gather [hbm4b:s3+s4], $0x80, s1, s4, $0xb8;
	[tilespmem:$0x1A000] =	vst v63  }
0x4b: {  	s0 =	rddreg [dreg:$0xa]  }
0x4c: {  	[tilespmem:s11], [sflag:$0x3] =	stream.indirect.gather [hbm4b:s3+s4], $0x80, s0, s4, $0xb8;
	[tilespmem:$0x1A000] =	vst v63  }
0x4d: {  	_ =	swait.ge [sflag:s18], $0x4000  }
0x4e: {  	[sflag:s18] =	ssyncset.done $0x0  }
0x4f: {  	[sflag:s18] =	ssyncadd.s32 $0xFFFFC000  }
0x50: {  	_ =	swait.ge [sflag:s18], $0x4000  }
0x51: {  	[sflag:s18] =	ssyncset.done $0x0  }
0x52: {  	s0 =	rddreg [dreg:$0xb];
	[sflag:s18] =	ssyncadd.s32 $0xFFFFC000  }
0x53: {  	[hbm4b:s2+s4] =	stream.indirect.scatter [tilespmem:s12], [sflag:$0x5], $0x80, s0, s4, $0xb8;
	[tilespmem:$0x1A000] =	vst v63  }
0x54: {  	s1 =	rddreg [dreg:$0xc]  }
0x55: {  	[hbm4b:s2+s4] =	stream.indirect.scatter [tilespmem:s14], [sflag:$0x5], $0x80, s1, s4, $0xb8;
	[tilespmem:$0x1A000] =	vst v63  }
0x56: {  	_ =	swait.ge [sflag:s7], $0x4000  }
0x57: {  	[sflag:s7] =	ssyncset.done $0x0  }
0x58: {  	[sflag:s7] =	ssyncadd.s32 $0xFFFFC000  }
0x59: {  	_ =	swait.ge [sflag:s7], $0x4000  }
0x5a: {  	[sflag:s7] =	ssyncset.done $0x0  }
0x5b: {  	s0 =	rddreg [dreg:$0xd];
	[sflag:s7] =	ssyncadd.s32 $0xFFFFC000  }
0x5c: {  	[tilespmem:s5], [sflag:$0x1] =	stream.indirect.gather [hbm4b:s3+s4], $0x80, s0, s4, $0xb8;
	[tilespmem:$0x1A000] =	vst v63  }
0x5d: {  	s1 =	rddreg [dreg:$0xe]  }
0x5e: {  	[tilespmem:s6], [sflag:$0x1] =	stream.indirect.gather [hbm4b:s3+s4], $0x80, s1, s4, $0xb8;
	[tilespmem:$0x1A000] =	vst v63  }
0x5f: {  	_ =	swait.ge [sflag:s15], $0x4000  }
0x60: {  	[sflag:s15] =	ssyncset.done $0x0  }
0x61: {  	[sflag:s15] =	ssyncadd.s32 $0xFFFFC000  }
0x62: {  	_ =	swait.ge [sflag:s15], $0x4000  }
0x63: {  	[sflag:s15] =	ssyncset.done $0x0  }
0x64: {  	s0 =	rddreg [dreg:$0xf];
	[sflag:s15] =	ssyncadd.s32 $0xFFFFC000  }
0x65: {  	[hbm4b:s2+s4] =	stream.indirect.scatter [tilespmem:s10], [sflag:$0x6], $0x80, s0, s4, $0xb8;
	[tilespmem:$0x1A000] =	vst v63  }
0x66: {  	s1 =	rddreg [dreg:$0x10]  }
0x67: {  	[hbm4b:s2+s4] =	stream.indirect.scatter [tilespmem:s11], [sflag:$0x6], $0x80, s1, s4, $0xb8;
	[tilespmem:$0x1A000] =	vst v63  }
0x68: {  	_ =	swait.ge [sflag:s13], $0x4000  }
0x69: {  	[sflag:s13] =	ssyncset.done $0x0  }
0x6a: {  	[sflag:s13] =	ssyncadd.s32 $0xFFFFC000  }
0x6b: {  	_ =	swait.ge [sflag:s13], $0x4000  }
0x6c: {  	[sflag:s13] =	ssyncset.done $0x0  }
0x6d: {  	s0 =	rddreg [dreg:$0x11];
	[sflag:s13] =	ssyncadd.s32 $0xFFFFC000  }
0x6e: {  	[tilespmem:s12], [sflag:$0x2] =	stream.indirect.gather [hbm4b:s3+s4], $0x80, s0, s4, $0xb8;
	[tilespmem:$0x1A000] =	vst v63  }
0x6f: {  	s1 =	rddreg [dreg:$0x12]  }
0x70: {  	[tilespmem:s14], [sflag:$0x2] =	stream.indirect.gather [hbm4b:s3+s4], $0x80, s1, s4, $0xb8;
	[tilespmem:$0x1A000] =	vst v63  }
0x71: {  	_ =	swait.ge [sflag:s8], $0x4000  }
0x72: {  	[sflag:s8] =	ssyncset.done $0x0  }
0x73: {  	[sflag:s8] =	ssyncadd.s32 $0xFFFFC000  }
0x74: {  	_ =	swait.ge [sflag:s8], $0x4000  }
0x75: {  	[sflag:s8] =	ssyncset.done $0x0  }
0x76: {  	s0 =	rddreg [dreg:$0x13];
	[sflag:s8] =	ssyncadd.s32 $0xFFFFC000  }
0x77: {  	[hbm4b:s2+s4] =	stream.indirect.scatter [tilespmem:s5], [sflag:$0x4], $0x80, s0, s4, $0xb8;
	[tilespmem:$0x1A000] =	vst v63  }
0x78: {  	s1 =	rddreg [dreg:$0x14]  }
0x79: {  	[hbm4b:s2+s4] =	stream.indirect.scatter [tilespmem:s6], [sflag:$0x4], $0x80, s1, s4, $0xb8;
	[tilespmem:$0x1A000] =	vst v63  }
0x7a: {  	_ =	swait.ge [sflag:s9], $0x4000  }
0x7b: {  	[sflag:s9] =	ssyncset.done $0x0  }
0x7c: {  	[sflag:s9] =	ssyncadd.s32 $0xFFFFC000  }
0x7d: {  	_ =	swait.ge [sflag:s9], $0x4000  }
0x7e: {  	[sflag:s9] =	ssyncset.done $0x0  }
0x7f: {  	s0 =	rddreg [dreg:$0x15];
	[sflag:s9] =	ssyncadd.s32 $0xFFFFC000  }
0x80: {  	[tilespmem:s10], [sflag:$0x3] =	stream.indirect.gather [hbm4b:s3+s4], $0x80, s0, s4, $0xb8;
	[tilespmem:$0x1A000] =	vst v63  }
0x81: {  	s1 =	rddreg [dreg:$0x16]  }
0x82: {  	[tilespmem:s11], [sflag:$0x3] =	stream.indirect.gather [hbm4b:s3+s4], $0x80, s1, s4, $0xb8;
	[tilespmem:$0x1A000] =	vst v63  }
0x83: {  	_ =	swait.ge [sflag:s18], $0x4000  }
0x84: {  	[sflag:s18] =	ssyncset.done $0x0  }
0x85: {  	[sflag:s18] =	ssyncadd.s32 $0xFFFFC000  }
0x86: {  	_ =	swait.ge [sflag:s18], $0x4000  }
0x87: {  	[sflag:s18] =	ssyncset.done $0x0  }
0x88: {  	s0 =	rddreg [dreg:$0x17];
	[sflag:s18] =	ssyncadd.s32 $0xFFFFC000  }
0x89: {  	[hbm4b:s2+s4] =	stream.indirect.scatter [tilespmem:s12], [sflag:$0x5], $0x80, s0, s4, $0xb8;
	[tilespmem:$0x1A000] =	vst v63  }
0x8a: {  	s1 =	rddreg [dreg:$0x18]  }
0x8b: {  	[hbm4b:s2+s4] =	stream.indirect.scatter [tilespmem:s14], [sflag:$0x5], $0x80, s1, s4, $0xb8;
	[tilespmem:$0x1A000] =	vst v63  }
0x8c: {  	_ =	swait.ge [sflag:s7], $0x4000  }
0x8d: {  	[sflag:s7] =	ssyncset.done $0x0  }
0x8e: {  	[sflag:s7] =	ssyncadd.s32 $0xFFFFC000  }
0x8f: {  	_ =	swait.ge [sflag:s7], $0x4000  }
0x90: {  	[sflag:s7] =	ssyncset.done $0x0  }
0x91: {  	s0 =	rddreg [dreg:$0x19];
	[sflag:s7] =	ssyncadd.s32 $0xFFFFC000  }
0x92: {  	[tilespmem:s5], [sflag:$0x1] =	stream.indirect.gather [hbm4b:s3+s4], $0x80, s0, s4, $0xb8;
	[tilespmem:$0x1A000] =	vst v63  }
0x93: {  	s1 =	rddreg [dreg:$0x1a]  }
0x94: {  	[tilespmem:s6], [sflag:$0x1] =	stream.indirect.gather [hbm4b:s3+s4], $0x80, s1, s4, $0xb8;
	[tilespmem:$0x1A000] =	vst v63  }
0x95: {  	_ =	swait.ge [sflag:s15], $0x4000  }
0x96: {  	[sflag:s15] =	ssyncset.done $0x0  }
0x97: {  	[sflag:s15] =	ssyncadd.s32 $0xFFFFC000  }
0x98: {  	_ =	swait.ge [sflag:s15], $0x4000  }
0x99: {  	[sflag:s15] =	ssyncset.done $0x0  }
0x9a: {  	s0 =	rddreg [dreg:$0x1b];
	[sflag:s15] =	ssyncadd.s32 $0xFFFFC000  }
0x9b: {  	[hbm4b:s2+s4] =	stream.indirect.scatter [tilespmem:s10], [sflag:$0x6], $0x80, s0, s4, $0xb8;
	[tilespmem:$0x1A000] =	vst v63  }
0x9c: {  	s1 =	rddreg [dreg:$0x1c]  }
0x9d: {  	[hbm4b:s2+s4] =	stream.indirect.scatter [tilespmem:s11], [sflag:$0x6], $0x80, s1, s4, $0xb8;
	[tilespmem:$0x1A000] =	vst v63  }
0x9e: {  	_ =	swait.ge [sflag:s13], $0x4000  }
0x9f: {  	[sflag:s13] =	ssyncset.done $0x0  }
0xa0: {  	[sflag:s13] =	ssyncadd.s32 $0xFFFFC000  }
0xa1: {  	_ =	swait.ge [sflag:s13], $0x4000  }
0xa2: {  	[sflag:s13] =	ssyncset.done $0x0  }
0xa3: {  	s0 =	rddreg [dreg:$0x1d];
	[sflag:s13] =	ssyncadd.s32 $0xFFFFC000  }
0xa4: {  	[tilespmem:s12], [sflag:$0x2] =	stream.indirect.gather [hbm4b:s3+s4], $0x80, s0, s4, $0xb8;
	[tilespmem:$0x1A000] =	vst v63  }
0xa5: {  	s1 =	rddreg [dreg:$0x1e]  }
0xa6: {  	[tilespmem:s14], [sflag:$0x2] =	stream.indirect.gather [hbm4b:s3+s4], $0x80, s1, s4, $0xb8;
	[tilespmem:$0x1A000] =	vst v63  }
0xa7: {  	_ =	swait.ge [sflag:s8], $0x4000  }
0xa8: {  	[sflag:s8] =	ssyncset.done $0x0  }
0xa9: {  	[sflag:s8] =	ssyncadd.s32 $0xFFFFC000  }
0xaa: {  	_ =	swait.ge [sflag:s8], $0x4000  }
0xab: {  	s0 =	rddreg [dreg:$0x1f];
	[sflag:s8] =	ssyncset.done $0x0  }
0xac: {  	s1 =	sld [smem:$0x7F2];
	[sflag:s8] =	ssyncadd.s32 $0xFFFFC000  }
0xad: {  	[hbm4b:s2+s4] =	stream.indirect.scatter [tilespmem:s5], [sflag:$0x4], $0x80, s0, s4, $0xb8;
	[tilespmem:$0x1A000] =	vst v63  }
0xae: {  	_ = 	snop  }
0xaf: {  	[hbm4b:s2+s4] =	stream.indirect.scatter [tilespmem:s6], [sflag:$0x4], $0x80, s1, s4, $0xb8;
	[tilespmem:$0x1A000] =	vst v63  }
0xb0: {  	_ =	swait.ge [sflag:s9], $0x4000  }
0xb1: {  	[sflag:s9] =	ssyncset.done $0x0  }
0xb2: {  	[sflag:s9] =	ssyncadd.s32 $0xFFFFC000  }
0xb3: {  	_ =	swait.ge [sflag:s9], $0x4000  }
0xb4: {  	s0 =	sld [smem:$0x7F3]  }
0xb5: {  	[sflag:s9] =	ssyncset.done $0x0  }
0xb6: {  	s1 =	sld [smem:$0x7F4];
	[sflag:s9] =	ssyncadd.s32 $0xFFFFC000  }
0xb7: {  	[tilespmem:s10], [sflag:$0x3] =	stream.indirect.gather [hbm4b:s3+s4], $0x80, s0, s4, $0xb8;
	[tilespmem:$0x1A000] =	vst v63  }
0xb8: {  	_ = 	snop  }
0xb9: {  	[tilespmem:s11], [sflag:$0x3] =	stream.indirect.gather [hbm4b:s3+s4], $0x80, s1, s4, $0xb8;
	[tilespmem:$0x1A000] =	vst v63  }
0xba: {  	_ =	swait.ge [sflag:s18], $0x4000  }
0xbb: {  	[sflag:s18] =	ssyncset.done $0x0  }
0xbc: {  	[sflag:s18] =	ssyncadd.s32 $0xFFFFC000  }
0xbd: {  	_ =	swait.ge [sflag:s18], $0x4000  }
0xbe: {  	s0 =	sld [smem:$0x7F5]  }
0xbf: {  	[sflag:s18] =	ssyncset.done $0x0  }
0xc0: {  	s1 =	sld [smem:$0x7F6];
	[sflag:s18] =	ssyncadd.s32 $0xFFFFC000  }
0xc1: {  	[hbm4b:s2+s4] =	stream.indirect.scatter [tilespmem:s12], [sflag:$0x5], $0x80, s0, s4, $0xb8;
	[tilespmem:$0x1A000] =	vst v63  }
0xc2: {  	_ = 	snop  }
0xc3: {  	[hbm4b:s2+s4] =	stream.indirect.scatter [tilespmem:s14], [sflag:$0x5], $0x80, s1, s4, $0xb8;
	[tilespmem:$0x1A000] =	vst v63  }
0xc4: {  	_ =	swait.ge [sflag:s7], $0x4000  }
0xc5: {  	[sflag:s7] =	ssyncset.done $0x0  }
0xc6: {  	[sflag:s7] =	ssyncadd.s32 $0xFFFFC000  }
0xc7: {  	_ =	swait.ge [sflag:s7], $0x4000  }
0xc8: {  	s0 =	sld [smem:$0x7F7]  }
0xc9: {  	[sflag:s7] =	ssyncset.done $0x0  }
0xca: {  	s1 =	sld [smem:$0x7F8];
	[sflag:s7] =	ssyncadd.s32 $0xFFFFC000  }
0xcb: {  	[tilespmem:s5], [sflag:$0x1] =	stream.indirect.gather [hbm4b:s3+s4], $0x80, s0, s4, $0xb8;
	[tilespmem:$0x1A000] =	vst v63  }
0xcc: {  	_ = 	snop  }
0xcd: {  	[tilespmem:s6], [sflag:$0x1] =	stream.indirect.gather [hbm4b:s3+s4], $0x80, s1, s4, $0xb8;
	[tilespmem:$0x1A000] =	vst v63  }
0xce: {  	_ =	swait.ge [sflag:s15], $0x4000  }
0xcf: {  	[sflag:s15] =	ssyncset.done $0x0  }
0xd0: {  	[sflag:s15] =	ssyncadd.s32 $0xFFFFC000  }
0xd1: {  	_ =	swait.ge [sflag:s15], $0x4000  }
0xd2: {  	s0 =	sld [smem:$0x7F9]  }
0xd3: {  	[sflag:s15] =	ssyncset.done $0x0  }
0xd4: {  	s1 =	sld [smem:$0x7FA];
	[sflag:s15] =	ssyncadd.s32 $0xFFFFC000  }
0xd5: {  	[hbm4b:s2+s4] =	stream.indirect.scatter [tilespmem:s10], [sflag:$0x6], $0x80, s0, s4, $0xb8;
	[tilespmem:$0x1A000] =	vst v63  }
0xd6: {  	_ = 	snop  }
0xd7: {  	[hbm4b:s2+s4] =	stream.indirect.scatter [tilespmem:s11], [sflag:$0x6], $0x80, s1, s4, $0xb8;
	[tilespmem:$0x1A000] =	vst v63  }
0xd8: {  	_ =	swait.ge [sflag:s13], $0x4000  }
0xd9: {  	[sflag:s13] =	ssyncset.done $0x0  }
0xda: {  	[sflag:s13] =	ssyncadd.s32 $0xFFFFC000  }
0xdb: {  	_ =	swait.ge [sflag:s13], $0x4000  }
0xdc: {  	s0 =	sld [smem:$0x7FB]  }
0xdd: {  	[sflag:s13] =	ssyncset.done $0x0  }
0xde: {  	s1 =	sld [smem:$0x7FC];
	[sflag:s13] =	ssyncadd.s32 $0xFFFFC000  }
0xdf: {  	[tilespmem:s12], [sflag:$0x2] =	stream.indirect.gather [hbm4b:s3+s4], $0x80, s0, s4, $0xb8;
	[tilespmem:$0x1A000] =	vst v63  }
0xe0: {  	_ = 	snop  }
0xe1: {  	[tilespmem:s14], [sflag:$0x2] =	stream.indirect.gather [hbm4b:s3+s4], $0x80, s1, s4, $0xb8;
	[tilespmem:$0x1A000] =	vst v63  }
0xe2: {  	_ =	swait.ge [sflag:s8], $0x4000  }
0xe3: {  	[sflag:s8] =	ssyncset.done $0x0  }
0xe4: {  	[sflag:s8] =	ssyncadd.s32 $0xFFFFC000  }
0xe5: {  	_ =	swait.ge [sflag:s8], $0x4000  }
0xe6: {  	s1 =	sld [smem:$0x7FD]  }
0xe7: {  	[sflag:s8] =	ssyncset.done $0x0  }
0xe8: {  	[sflag:s8] =	ssyncadd.s32 $0xFFFFC000  }
0xe9: {  	[hbm4b:s2+s4] =	stream.indirect.scatter [tilespmem:s5], [sflag:$0x4], $0x80, s1, s4, $0xb8;
	[tilespmem:$0x1A000] =	vst v63  }
0xea: {  	_ = 	snop  }
0xeb: {  	[hbm4b:s2+s4] =	stream.indirect.scatter [tilespmem:s6], [sflag:$0x4], $0x80, s24, s4, $0xb8;
	[tilespmem:$0x1A000] =	vst v63  }
0xec: {  	_ =	swait.ge [sflag:s9], $0x4000  }
0xed: {  	[sflag:s9] =	ssyncset.done $0x0  }
0xee: {  	[sflag:s9] =	ssyncadd.s32 $0xFFFFC000  }
0xef: {  	_ =	swait.ge [sflag:s9], $0x4000  }
0xf0: {  	[sflag:s9] =	ssyncset.done $0x0  }
0xf1: {  	[sflag:s9] =	ssyncadd.s32 $0xFFFFC000  }
0xf2: {  	[tilespmem:s10], [sflag:$0x3] =	stream.indirect.gather [hbm4b:s3+s4], $0x80, s26, s4, $0xb8;
	[tilespmem:$0x1A000] =	vst v63  }
0xf3: {  	_ = 	snop  }
0xf4: {  	[tilespmem:s11], [sflag:$0x3] =	stream.indirect.gather [hbm4b:s3+s4], $0x80, s28, s4, $0xb8;
	[tilespmem:$0x1A000] =	vst v63  }
0xf5: {  	_ =	swait.ge [sflag:s18], $0x4000  }
0xf6: {  	[sflag:s18] =	ssyncset.done $0x0  }
0xf7: {  	[sflag:s18] =	ssyncadd.s32 $0xFFFFC000  }
0xf8: {  	_ =	swait.ge [sflag:s18], $0x4000  }
0xf9: {  	[sflag:s18] =	ssyncset.done $0x0  }
0xfa: {  	s1 =	simm.s32 $0x1A00;
	[sflag:s18] =	ssyncadd.s32 $0xFFFFC000  }
0xfb: {  	[hbm4b:s2+s4] =	stream.indirect.scatter [tilespmem:s12], [sflag:$0x5], $0x80, s1, s4, $0xb8;
	[tilespmem:$0x1A000] =	vst v63  }
0xfc: {  	_ = 	snop  }
0xfd: {  	[hbm4b:s2+s4] =	stream.indirect.scatter [tilespmem:s14], [sflag:$0x5], $0x80, s25, s4, $0xb8;
	[tilespmem:$0x1A000] =	vst v63  }
0xfe: {  	_ =	swait.ge [sflag:s7], $0x4000  }
0xff: {  	[sflag:s7] =	ssyncset.done $0x0  }
0x100: {  	[sflag:s7] =	ssyncadd.s32 $0xFFFFC000  }
0x101: {  	_ =	swait.ge [sflag:s7], $0x4000  }
0x102: {  	[sflag:s7] =	ssyncset.done $0x0  }
0x103: {  	[sflag:s7] =	ssyncadd.s32 $0xFFFFC000  }
0x104: {  	[tilespmem:s5], [sflag:$0x1] =	stream.indirect.gather [hbm4b:s3+s4], $0x80, s22, s4, $0xb8;
	[tilespmem:$0x1A000] =	vst v63  }
0x105: {  	_ = 	snop  }
0x106: {  	[tilespmem:s6], [sflag:$0x1] =	stream.indirect.gather [hbm4b:s3+s4], $0x80, s23, s4, $0xb8;
	[tilespmem:$0x1A000] =	vst v63  }
0x107: {  	_ =	swait.ge [sflag:s15], $0x4000  }
0x108: {  	[sflag:s15] =	ssyncset.done $0x0  }
0x109: {  	[sflag:s15] =	ssyncadd.s32 $0xFFFFC000  }
0x10a: {  	_ =	swait.ge [sflag:s15], $0x4000  }
0x10b: {  	[sflag:s15] =	ssyncset.done $0x0  }
0x10c: {  	[sflag:s15] =	ssyncadd.s32 $0xFFFFC000  }
0x10d: {  	[hbm4b:s2+s4] =	stream.indirect.scatter [tilespmem:s10], [sflag:$0x6], $0x80, s20, s4, $0xb8;
	[tilespmem:$0x1A000] =	vst v63  }
0x10e: {  	_ = 	snop  }
0x10f: {  	[hbm4b:s2+s4] =	stream.indirect.scatter [tilespmem:s11], [sflag:$0x6], $0x80, s21, s4, $0xb8;
	[tilespmem:$0x1A000] =	vst v63  }
0x110: {  	_ =	swait.ge [sflag:s13], $0x4000  }
0x111: {  	[sflag:s13] =	ssyncset.done $0x0  }
0x112: {  	[sflag:s13] =	ssyncadd.s32 $0xFFFFC000  }
0x113: {  	_ =	swait.ge [sflag:s13], $0x4000  }
0x114: {  	[sflag:s13] =	ssyncset.done $0x0  }
0x115: {  	[sflag:s13] =	ssyncadd.s32 $0xFFFFC000  }
0x116: {  	_ =	swait.ge [sflag:s8], $0x4000  }
0x117: {  	[sflag:s8] =	ssyncset.done $0x0  }
0x118: {  	[sflag:s8] =	ssyncadd.s32 $0xFFFFC000  }
0x119: {  	_ =	swait.ge [sflag:s8], $0x4000  }
0x11a: {  	[sflag:s8] =	ssyncset.done $0x0  }
0x11b: {  	[sflag:s8] =	ssyncadd.s32 $0xFFFFC000  }
0x11c: {  	[hbm4b:s2+s4] =	stream.indirect.scatter [tilespmem:s5], [sflag:$0x4], $0x80, s17, s4, $0xb8;
	[tilespmem:$0x1A000] =	vst v63  }
0x11d: {  	_ = 	snop  }
0x11e: {  	[hbm4b:s2+s4] =	stream.indirect.scatter [tilespmem:s6], [sflag:$0x4], $0x80, s19, s4, $0xb8;
	[tilespmem:$0x1A000] =	vst v63  }
0x11f: {  	_ =	swait.ge [sflag:s9], $0x4000  }
0x120: {  	[sflag:s9] =	ssyncset.done $0x0  }
0x121: {  	[sflag:s9] =	ssyncadd.s32 $0xFFFFC000  }
0x122: {  	_ =	swait.ge [sflag:s9], $0x4000  }
0x123: {  	[sflag:s9] =	ssyncset.done $0x0  }
0x124: {  	p1 =	sne.s32 s16, $0x1;
	[sflag:s9] =	ssyncadd.s32 $0xFFFFC000  }
.Ltmp1:
0x125: {  	_ =	swait.ge [sflag:s7], $0x4000;
	(pc) =	sbr.rel @!p1 .LBB2_3-.Ltmp1, $4  }
0x126: {  	[sflag:s7] =	ssyncset.done $0x0  }
0x127: {  	[sflag:s7] =	ssyncadd.s32 $0xFFFFC000  }
0x128: {  	p0 =	por $0x1, $0x1;
	_ =	swait.ge [sflag:s7], $0x4000  }
0x129: {  	s1 =	sadd.s32 $0xFFFFFFFF, s16;
	s0 =	rddreg [dreg:$0x4];
	[sflag:s7] =	ssyncset.done $0x0  }
.LBB2_4:
0x12a: {  	[sflag:s7] =	ssyncadd.s32 $0xFFFFC000  }
0x12b: {  	[tilespmem:s29], [sflag:$0x7] =	stream.linear.gather [hbm4b:s0+s29], $0xD00, $0x38;
	[tilespmem:$0x1A000] =	vst v63  }
0x12c: {  	_ =	swait.ge [sflag:s31], $0xD00  }
0x12d: {  	[sflag:s31] =	ssyncset.done $0x0  }
0x12e: {  	s16 =	rddreg [dreg:$0x5];
	[sflag:s31] =	ssyncadd.s32 $0xFFFFF300  }
0x12f: {  	[tilespmem:s30], [sflag:$0x7] =	stream.linear.gather [hbm4b:s16+s29], $0xD00, $0x38;
	[tilespmem:$0x1A000] =	vst v63  }
0x130: {  	_ =	swait.ge [sflag:s31], $0xD00  }
0x131: {  	[sflag:s31] =	ssyncset.done $0x0  }
0x132: {  	[sflag:s31] =	ssyncadd.s32 $0xFFFFF300  }
0x133: {  	[tilespmem:s5], [sflag:$0x1] =	stream.indirect.gather [hbm4b:s3+s4], $0x80, s29, s4, $0xb8;
	[tilespmem:$0x1A000] =	vst v63  }
0x134: {  	_ = 	snop  }
0x135: {  	[tilespmem:s6], [sflag:$0x1] =	stream.indirect.gather [hbm4b:s3+s4], $0x80, s4, s4, $0xb8;
	[tilespmem:$0x1A000] =	vst v63  }
0x136: {  	s0 =	rddreg [dreg:$0x6]  }
0x137: {  	[tilespmem:s12], [sflag:$0x2] =	stream.indirect.gather [hbm4b:s3+s4], $0x80, s0, s4, $0xb8;
	[tilespmem:$0x1A000] =	vst v63  }
0x138: {  	s16 =	rddreg [dreg:$0x7]  }
0x139: {  	[tilespmem:s14], [sflag:$0x2] =	stream.indirect.gather [hbm4b:s3+s4], $0x80, s16, s4, $0xb8;
	[tilespmem:$0x1A000] =	vst v63  }
0x13a: {  	_ =	swait.ge [sflag:s8], $0x4000  }
0x13b: {  	[sflag:s8] =	ssyncset.done $0x0  }
0x13c: {  	[sflag:s8] =	ssyncadd.s32 $0xFFFFC000  }
0x13d: {  	_ =	swait.ge [sflag:s8], $0x4000  }
0x13e: {  	[sflag:s8] =	ssyncset.done $0x0  }
0x13f: {  	[sflag:s8] =	ssyncadd.s32 $0xFFFFC000  }
0x140: {  	[hbm4b:s2+s4] =	stream.indirect.scatter [tilespmem:s5], [sflag:$0x4], $0x80, s30, s4, $0xb8;
	[tilespmem:$0x1A000] =	vst v63  }
0x141: {  	s0 =	rddreg [dreg:$0x8]  }
0x142: {  	[hbm4b:s2+s4] =	stream.indirect.scatter [tilespmem:s6], [sflag:$0x4], $0x80, s0, s4, $0xb8;
	[tilespmem:$0x1A000] =	vst v63  }
0x143: {  	s16 =	rddreg [dreg:$0x9]  }
0x144: {  	[tilespmem:s10], [sflag:$0x3] =	stream.indirect.gather [hbm4b:s3+s4], $0x80, s16, s4, $0xb8;
	[tilespmem:$0x1A000] =	vst v63  }
0x145: {  	s0 =	rddreg [dreg:$0xa]  }
0x146: {  	[tilespmem:s11], [sflag:$0x3] =	stream.indirect.gather [hbm4b:s3+s4], $0x80, s0, s4, $0xb8;
	[tilespmem:$0x1A000] =	vst v63  }
0x147: {  	_ =	swait.ge [sflag:s18], $0x4000  }
0x148: {  	[sflag:s18] =	ssyncset.done $0x0  }
0x149: {  	[sflag:s18] =	ssyncadd.s32 $0xFFFFC000  }
0x14a: {  	_ =	swait.ge [sflag:s18], $0x4000  }
0x14b: {  	[sflag:s18] =	ssyncset.done $0x0  }
0x14c: {  	s0 =	rddreg [dreg:$0xb];
	[sflag:s18] =	ssyncadd.s32 $0xFFFFC000  }
0x14d: {  	[hbm4b:s2+s4] =	stream.indirect.scatter [tilespmem:s12], [sflag:$0x5], $0x80, s0, s4, $0xb8;
	[tilespmem:$0x1A000] =	vst v63  }
0x14e: {  	s16 =	rddreg [dreg:$0xc]  }
0x14f: {  	[hbm4b:s2+s4] =	stream.indirect.scatter [tilespmem:s14], [sflag:$0x5], $0x80, s16, s4, $0xb8;
	[tilespmem:$0x1A000] =	vst v63  }
0x150: {  	_ =	swait.ge [sflag:s7], $0x4000  }
0x151: {  	[sflag:s7] =	ssyncset.done $0x0  }
0x152: {  	[sflag:s7] =	ssyncadd.s32 $0xFFFFC000  }
0x153: {  	_ =	swait.ge [sflag:s7], $0x4000  }
0x154: {  	[sflag:s7] =	ssyncset.done $0x0  }
0x155: {  	s0 =	rddreg [dreg:$0xd];
	[sflag:s7] =	ssyncadd.s32 $0xFFFFC000  }
0x156: {  	[tilespmem:s5], [sflag:$0x1] =	stream.indirect.gather [hbm4b:s3+s4], $0x80, s0, s4, $0xb8;
	[tilespmem:$0x1A000] =	vst v63  }
0x157: {  	s16 =	rddreg [dreg:$0xe]  }
0x158: {  	[tilespmem:s6], [sflag:$0x1] =	stream.indirect.gather [hbm4b:s3+s4], $0x80, s16, s4, $0xb8;
	[tilespmem:$0x1A000] =	vst v63  }
0x159: {  	_ =	swait.ge [sflag:s15], $0x4000  }
0x15a: {  	[sflag:s15] =	ssyncset.done $0x0  }
0x15b: {  	[sflag:s15] =	ssyncadd.s32 $0xFFFFC000  }
0x15c: {  	_ =	swait.ge [sflag:s15], $0x4000  }
0x15d: {  	[sflag:s15] =	ssyncset.done $0x0  }
0x15e: {  	s0 =	rddreg [dreg:$0xf];
	[sflag:s15] =	ssyncadd.s32 $0xFFFFC000  }
0x15f: {  	[hbm4b:s2+s4] =	stream.indirect.scatter [tilespmem:s10], [sflag:$0x6], $0x80, s0, s4, $0xb8;
	[tilespmem:$0x1A000] =	vst v63  }
0x160: {  	s16 =	rddreg [dreg:$0x10]  }
0x161: {  	[hbm4b:s2+s4] =	stream.indirect.scatter [tilespmem:s11], [sflag:$0x6], $0x80, s16, s4, $0xb8;
	[tilespmem:$0x1A000] =	vst v63  }
0x162: {  	_ =	swait.ge [sflag:s13], $0x4000  }
0x163: {  	[sflag:s13] =	ssyncset.done $0x0  }
0x164: {  	[sflag:s13] =	ssyncadd.s32 $0xFFFFC000  }
0x165: {  	_ =	swait.ge [sflag:s13], $0x4000  }
0x166: {  	[sflag:s13] =	ssyncset.done $0x0  }
0x167: {  	s0 =	rddreg [dreg:$0x11];
	[sflag:s13] =	ssyncadd.s32 $0xFFFFC000  }
0x168: {  	[tilespmem:s12], [sflag:$0x2] =	stream.indirect.gather [hbm4b:s3+s4], $0x80, s0, s4, $0xb8;
	[tilespmem:$0x1A000] =	vst v63  }
0x169: {  	s16 =	rddreg [dreg:$0x12]  }
0x16a: {  	[tilespmem:s14], [sflag:$0x2] =	stream.indirect.gather [hbm4b:s3+s4], $0x80, s16, s4, $0xb8;
	[tilespmem:$0x1A000] =	vst v63  }
0x16b: {  	_ =	swait.ge [sflag:s8], $0x4000  }
0x16c: {  	[sflag:s8] =	ssyncset.done $0x0  }
0x16d: {  	[sflag:s8] =	ssyncadd.s32 $0xFFFFC000  }
0x16e: {  	_ =	swait.ge [sflag:s8], $0x4000  }
0x16f: {  	[sflag:s8] =	ssyncset.done $0x0  }
0x170: {  	s0 =	rddreg [dreg:$0x13];
	[sflag:s8] =	ssyncadd.s32 $0xFFFFC000  }
0x171: {  	[hbm4b:s2+s4] =	stream.indirect.scatter [tilespmem:s5], [sflag:$0x4], $0x80, s0, s4, $0xb8;
	[tilespmem:$0x1A000] =	vst v63  }
0x172: {  	s16 =	rddreg [dreg:$0x14]  }
0x173: {  	[hbm4b:s2+s4] =	stream.indirect.scatter [tilespmem:s6], [sflag:$0x4], $0x80, s16, s4, $0xb8;
	[tilespmem:$0x1A000] =	vst v63  }
0x174: {  	_ =	swait.ge [sflag:s9], $0x4000  }
0x175: {  	[sflag:s9] =	ssyncset.done $0x0  }
0x176: {  	[sflag:s9] =	ssyncadd.s32 $0xFFFFC000  }
0x177: {  	_ =	swait.ge [sflag:s9], $0x4000  }
0x178: {  	[sflag:s9] =	ssyncset.done $0x0  }
0x179: {  	s0 =	rddreg [dreg:$0x15];
	[sflag:s9] =	ssyncadd.s32 $0xFFFFC000  }
0x17a: {  	[tilespmem:s10], [sflag:$0x3] =	stream.indirect.gather [hbm4b:s3+s4], $0x80, s0, s4, $0xb8;
	[tilespmem:$0x1A000] =	vst v63  }
0x17b: {  	s16 =	rddreg [dreg:$0x16]  }
0x17c: {  	[tilespmem:s11], [sflag:$0x3] =	stream.indirect.gather [hbm4b:s3+s4], $0x80, s16, s4, $0xb8;
	[tilespmem:$0x1A000] =	vst v63  }
0x17d: {  	_ =	swait.ge [sflag:s18], $0x4000  }
0x17e: {  	[sflag:s18] =	ssyncset.done $0x0  }
0x17f: {  	[sflag:s18] =	ssyncadd.s32 $0xFFFFC000  }
0x180: {  	_ =	swait.ge [sflag:s18], $0x4000  }
0x181: {  	[sflag:s18] =	ssyncset.done $0x0  }
0x182: {  	s0 =	rddreg [dreg:$0x17];
	[sflag:s18] =	ssyncadd.s32 $0xFFFFC000  }
0x183: {  	[hbm4b:s2+s4] =	stream.indirect.scatter [tilespmem:s12], [sflag:$0x5], $0x80, s0, s4, $0xb8;
	[tilespmem:$0x1A000] =	vst v63  }
0x184: {  	s16 =	rddreg [dreg:$0x18]  }
0x185: {  	[hbm4b:s2+s4] =	stream.indirect.scatter [tilespmem:s14], [sflag:$0x5], $0x80, s16, s4, $0xb8;
	[tilespmem:$0x1A000] =	vst v63  }
0x186: {  	_ =	swait.ge [sflag:s7], $0x4000  }
0x187: {  	[sflag:s7] =	ssyncset.done $0x0  }
0x188: {  	[sflag:s7] =	ssyncadd.s32 $0xFFFFC000  }
0x189: {  	_ =	swait.ge [sflag:s7], $0x4000  }
0x18a: {  	[sflag:s7] =	ssyncset.done $0x0  }
0x18b: {  	s0 =	rddreg [dreg:$0x19];
	[sflag:s7] =	ssyncadd.s32 $0xFFFFC000  }
0x18c: {  	[tilespmem:s5], [sflag:$0x1] =	stream.indirect.gather [hbm4b:s3+s4], $0x80, s0, s4, $0xb8;
	[tilespmem:$0x1A000] =	vst v63  }
0x18d: {  	s16 =	rddreg [dreg:$0x1a]  }
0x18e: {  	[tilespmem:s6], [sflag:$0x1] =	stream.indirect.gather [hbm4b:s3+s4], $0x80, s16, s4, $0xb8;
	[tilespmem:$0x1A000] =	vst v63  }
0x18f: {  	_ =	swait.ge [sflag:s15], $0x4000  }
0x190: {  	[sflag:s15] =	ssyncset.done $0x0  }
0x191: {  	[sflag:s15] =	ssyncadd.s32 $0xFFFFC000  }
0x192: {  	_ =	swait.ge [sflag:s15], $0x4000  }
0x193: {  	[sflag:s15] =	ssyncset.done $0x0  }
0x194: {  	s0 =	rddreg [dreg:$0x1b];
	[sflag:s15] =	ssyncadd.s32 $0xFFFFC000  }
0x195: {  	[hbm4b:s2+s4] =	stream.indirect.scatter [tilespmem:s10], [sflag:$0x6], $0x80, s0, s4, $0xb8;
	[tilespmem:$0x1A000] =	vst v63  }
0x196: {  	s16 =	rddreg [dreg:$0x1c]  }
0x197: {  	[hbm4b:s2+s4] =	stream.indirect.scatter [tilespmem:s11], [sflag:$0x6], $0x80, s16, s4, $0xb8;
	[tilespmem:$0x1A000] =	vst v63  }
0x198: {  	_ =	swait.ge [sflag:s13], $0x4000  }
0x199: {  	[sflag:s13] =	ssyncset.done $0x0  }
0x19a: {  	[sflag:s13] =	ssyncadd.s32 $0xFFFFC000  }
0x19b: {  	_ =	swait.ge [sflag:s13], $0x4000  }
0x19c: {  	[sflag:s13] =	ssyncset.done $0x0  }
0x19d: {  	s0 =	rddreg [dreg:$0x1d];
	[sflag:s13] =	ssyncadd.s32 $0xFFFFC000  }
0x19e: {  	[tilespmem:s12], [sflag:$0x2] =	stream.indirect.gather [hbm4b:s3+s4], $0x80, s0, s4, $0xb8;
	[tilespmem:$0x1A000] =	vst v63  }
0x19f: {  	s16 =	rddreg [dreg:$0x1e]  }
0x1a0: {  	[tilespmem:s14], [sflag:$0x2] =	stream.indirect.gather [hbm4b:s3+s4], $0x80, s16, s4, $0xb8;
	[tilespmem:$0x1A000] =	vst v63  }
0x1a1: {  	_ =	swait.ge [sflag:s8], $0x4000  }
0x1a2: {  	[sflag:s8] =	ssyncset.done $0x0  }
0x1a3: {  	[sflag:s8] =	ssyncadd.s32 $0xFFFFC000  }
0x1a4: {  	_ =	swait.ge [sflag:s8], $0x4000  }
0x1a5: {  	s0 =	rddreg [dreg:$0x1f];
	[sflag:s8] =	ssyncset.done $0x0  }
0x1a6: {  	s16 =	sld [smem:$0x7F2];
	[sflag:s8] =	ssyncadd.s32 $0xFFFFC000  }
0x1a7: {  	[hbm4b:s2+s4] =	stream.indirect.scatter [tilespmem:s5], [sflag:$0x4], $0x80, s0, s4, $0xb8;
	[tilespmem:$0x1A000] =	vst v63  }
0x1a8: {  	_ = 	snop  }
0x1a9: {  	[hbm4b:s2+s4] =	stream.indirect.scatter [tilespmem:s6], [sflag:$0x4], $0x80, s16, s4, $0xb8;
	[tilespmem:$0x1A000] =	vst v63  }
0x1aa: {  	_ =	swait.ge [sflag:s9], $0x4000  }
0x1ab: {  	[sflag:s9] =	ssyncset.done $0x0  }
0x1ac: {  	[sflag:s9] =	ssyncadd.s32 $0xFFFFC000  }
0x1ad: {  	_ =	swait.ge [sflag:s9], $0x4000  }
0x1ae: {  	s0 =	sld [smem:$0x7F3]  }
0x1af: {  	[sflag:s9] =	ssyncset.done $0x0  }
0x1b0: {  	s16 =	sld [smem:$0x7F4];
	[sflag:s9] =	ssyncadd.s32 $0xFFFFC000  }
0x1b1: {  	[tilespmem:s10], [sflag:$0x3] =	stream.indirect.gather [hbm4b:s3+s4], $0x80, s0, s4, $0xb8;
	[tilespmem:$0x1A000] =	vst v63  }
0x1b2: {  	_ = 	snop  }
0x1b3: {  	[tilespmem:s11], [sflag:$0x3] =	stream.indirect.gather [hbm4b:s3+s4], $0x80, s16, s4, $0xb8;
	[tilespmem:$0x1A000] =	vst v63  }
0x1b4: {  	_ =	swait.ge [sflag:s18], $0x4000  }
0x1b5: {  	[sflag:s18] =	ssyncset.done $0x0  }
0x1b6: {  	[sflag:s18] =	ssyncadd.s32 $0xFFFFC000  }
0x1b7: {  	_ =	swait.ge [sflag:s18], $0x4000  }
0x1b8: {  	s0 =	sld [smem:$0x7F5]  }
0x1b9: {  	[sflag:s18] =	ssyncset.done $0x0  }
0x1ba: {  	s16 =	sld [smem:$0x7F6];
	[sflag:s18] =	ssyncadd.s32 $0xFFFFC000  }
0x1bb: {  	[hbm4b:s2+s4] =	stream.indirect.scatter [tilespmem:s12], [sflag:$0x5], $0x80, s0, s4, $0xb8;
	[tilespmem:$0x1A000] =	vst v63  }
0x1bc: {  	_ = 	snop  }
0x1bd: {  	[hbm4b:s2+s4] =	stream.indirect.scatter [tilespmem:s14], [sflag:$0x5], $0x80, s16, s4, $0xb8;
	[tilespmem:$0x1A000] =	vst v63  }
0x1be: {  	_ =	swait.ge [sflag:s7], $0x4000  }
0x1bf: {  	[sflag:s7] =	ssyncset.done $0x0  }
0x1c0: {  	[sflag:s7] =	ssyncadd.s32 $0xFFFFC000  }
0x1c1: {  	_ =	swait.ge [sflag:s7], $0x4000  }
0x1c2: {  	s0 =	sld [smem:$0x7F7]  }
0x1c3: {  	[sflag:s7] =	ssyncset.done $0x0  }
0x1c4: {  	s16 =	sld [smem:$0x7F8];
	[sflag:s7] =	ssyncadd.s32 $0xFFFFC000  }
0x1c5: {  	[tilespmem:s5], [sflag:$0x1] =	stream.indirect.gather [hbm4b:s3+s4], $0x80, s0, s4, $0xb8;
	[tilespmem:$0x1A000] =	vst v63  }
0x1c6: {  	_ = 	snop  }
0x1c7: {  	[tilespmem:s6], [sflag:$0x1] =	stream.indirect.gather [hbm4b:s3+s4], $0x80, s16, s4, $0xb8;
	[tilespmem:$0x1A000] =	vst v63  }
0x1c8: {  	_ =	swait.ge [sflag:s15], $0x4000  }
0x1c9: {  	[sflag:s15] =	ssyncset.done $0x0  }
0x1ca: {  	[sflag:s15] =	ssyncadd.s32 $0xFFFFC000  }
0x1cb: {  	_ =	swait.ge [sflag:s15], $0x4000  }
0x1cc: {  	s0 =	sld [smem:$0x7F9]  }
0x1cd: {  	[sflag:s15] =	ssyncset.done $0x0  }
0x1ce: {  	s16 =	sld [smem:$0x7FA];
	[sflag:s15] =	ssyncadd.s32 $0xFFFFC000  }
0x1cf: {  	[hbm4b:s2+s4] =	stream.indirect.scatter [tilespmem:s10], [sflag:$0x6], $0x80, s0, s4, $0xb8;
	[tilespmem:$0x1A000] =	vst v63  }
0x1d0: {  	_ = 	snop  }
0x1d1: {  	[hbm4b:s2+s4] =	stream.indirect.scatter [tilespmem:s11], [sflag:$0x6], $0x80, s16, s4, $0xb8;
	[tilespmem:$0x1A000] =	vst v63  }
0x1d2: {  	_ =	swait.ge [sflag:s13], $0x4000  }
0x1d3: {  	[sflag:s13] =	ssyncset.done $0x0  }
0x1d4: {  	[sflag:s13] =	ssyncadd.s32 $0xFFFFC000  }
0x1d5: {  	_ =	swait.ge [sflag:s13], $0x4000  }
0x1d6: {  	s0 =	sld [smem:$0x7FB]  }
0x1d7: {  	[sflag:s13] =	ssyncset.done $0x0  }
0x1d8: {  	s16 =	sld [smem:$0x7FC];
	[sflag:s13] =	ssyncadd.s32 $0xFFFFC000  }
0x1d9: {  	[tilespmem:s12], [sflag:$0x2] =	stream.indirect.gather [hbm4b:s3+s4], $0x80, s0, s4, $0xb8;
	[tilespmem:$0x1A000] =	vst v63  }
0x1da: {  	_ = 	snop  }
0x1db: {  	[tilespmem:s14], [sflag:$0x2] =	stream.indirect.gather [hbm4b:s3+s4], $0x80, s16, s4, $0xb8;
	[tilespmem:$0x1A000] =	vst v63  }
0x1dc: {  	_ =	swait.ge [sflag:s8], $0x4000  }
0x1dd: {  	[sflag:s8] =	ssyncset.done $0x0  }
0x1de: {  	[sflag:s8] =	ssyncadd.s32 $0xFFFFC000  }
0x1df: {  	_ =	swait.ge [sflag:s8], $0x4000  }
0x1e0: {  	s16 =	sld [smem:$0x7FD]  }
0x1e1: {  	[sflag:s8] =	ssyncset.done $0x0  }
0x1e2: {  	[sflag:s8] =	ssyncadd.s32 $0xFFFFC000  }
0x1e3: {  	[hbm4b:s2+s4] =	stream.indirect.scatter [tilespmem:s5], [sflag:$0x4], $0x80, s16, s4, $0xb8;
	[tilespmem:$0x1A000] =	vst v63  }
0x1e4: {  	_ = 	snop  }
0x1e5: {  	[hbm4b:s2+s4] =	stream.indirect.scatter [tilespmem:s6], [sflag:$0x4], $0x80, s24, s4, $0xb8;
	[tilespmem:$0x1A000] =	vst v63  }
0x1e6: {  	_ =	swait.ge [sflag:s9], $0x4000  }
0x1e7: {  	[sflag:s9] =	ssyncset.done $0x0  }
0x1e8: {  	[sflag:s9] =	ssyncadd.s32 $0xFFFFC000  }
0x1e9: {  	_ =	swait.ge [sflag:s9], $0x4000  }
0x1ea: {  	[sflag:s9] =	ssyncset.done $0x0  }
0x1eb: {  	[sflag:s9] =	ssyncadd.s32 $0xFFFFC000  }
0x1ec: {  	[tilespmem:s10], [sflag:$0x3] =	stream.indirect.gather [hbm4b:s3+s4], $0x80, s26, s4, $0xb8;
	[tilespmem:$0x1A000] =	vst v63  }
0x1ed: {  	_ = 	snop  }
0x1ee: {  	[tilespmem:s11], [sflag:$0x3] =	stream.indirect.gather [hbm4b:s3+s4], $0x80, s28, s4, $0xb8;
	[tilespmem:$0x1A000] =	vst v63  }
0x1ef: {  	_ =	swait.ge [sflag:s18], $0x4000  }
0x1f0: {  	[sflag:s18] =	ssyncset.done $0x0  }
0x1f1: {  	[sflag:s18] =	ssyncadd.s32 $0xFFFFC000  }
0x1f2: {  	_ =	swait.ge [sflag:s18], $0x4000  }
0x1f3: {  	[sflag:s18] =	ssyncset.done $0x0  }
0x1f4: {  	s16 =	simm.s32 $0x1A00;
	[sflag:s18] =	ssyncadd.s32 $0xFFFFC000  }
0x1f5: {  	[hbm4b:s2+s4] =	stream.indirect.scatter [tilespmem:s12], [sflag:$0x5], $0x80, s16, s4, $0xb8;
	[tilespmem:$0x1A000] =	vst v63  }
0x1f6: {  	_ = 	snop  }
0x1f7: {  	[hbm4b:s2+s4] =	stream.indirect.scatter [tilespmem:s14], [sflag:$0x5], $0x80, s25, s4, $0xb8;
	[tilespmem:$0x1A000] =	vst v63  }
0x1f8: {  	_ =	swait.ge [sflag:s7], $0x4000  }
0x1f9: {  	[sflag:s7] =	ssyncset.done $0x0  }
0x1fa: {  	[sflag:s7] =	ssyncadd.s32 $0xFFFFC000  }
0x1fb: {  	_ =	swait.ge [sflag:s7], $0x4000  }
0x1fc: {  	[sflag:s7] =	ssyncset.done $0x0  }
0x1fd: {  	[sflag:s7] =	ssyncadd.s32 $0xFFFFC000  }
0x1fe: {  	[tilespmem:s5], [sflag:$0x1] =	stream.indirect.gather [hbm4b:s3+s4], $0x80, s22, s4, $0xb8;
	[tilespmem:$0x1A000] =	vst v63  }
0x1ff: {  	_ = 	snop  }
0x200: {  	[tilespmem:s6], [sflag:$0x1] =	stream.indirect.gather [hbm4b:s3+s4], $0x80, s23, s4, $0xb8;
	[tilespmem:$0x1A000] =	vst v63  }
0x201: {  	_ =	swait.ge [sflag:s15], $0x4000  }
0x202: {  	[sflag:s15] =	ssyncset.done $0x0  }
0x203: {  	[sflag:s15] =	ssyncadd.s32 $0xFFFFC000  }
0x204: {  	_ =	swait.ge [sflag:s15], $0x4000  }
0x205: {  	[sflag:s15] =	ssyncset.done $0x0  }
0x206: {  	[sflag:s15] =	ssyncadd.s32 $0xFFFFC000  }
0x207: {  	[hbm4b:s2+s4] =	stream.indirect.scatter [tilespmem:s10], [sflag:$0x6], $0x80, s20, s4, $0xb8;
	[tilespmem:$0x1A000] =	vst v63  }
0x208: {  	_ = 	snop  }
0x209: {  	[hbm4b:s2+s4] =	stream.indirect.scatter [tilespmem:s11], [sflag:$0x6], $0x80, s21, s4, $0xb8;
	[tilespmem:$0x1A000] =	vst v63  }
0x20a: {  	_ =	swait.ge [sflag:s13], $0x4000  }
0x20b: {  	[sflag:s13] =	ssyncset.done $0x0  }
0x20c: {  	[sflag:s13] =	ssyncadd.s32 $0xFFFFC000  }
0x20d: {  	_ =	swait.ge [sflag:s13], $0x4000  }
0x20e: {  	[sflag:s13] =	ssyncset.done $0x0  }
0x20f: {  	[sflag:s13] =	ssyncadd.s32 $0xFFFFC000  }
0x210: {  	_ =	swait.ge [sflag:s8], $0x4000  }
0x211: {  	[sflag:s8] =	ssyncset.done $0x0  }
0x212: {  	[sflag:s8] =	ssyncadd.s32 $0xFFFFC000  }
0x213: {  	_ =	swait.ge [sflag:s8], $0x4000  }
0x214: {  	[sflag:s8] =	ssyncset.done $0x0  }
0x215: {  	[sflag:s8] =	ssyncadd.s32 $0xFFFFC000  }
0x216: {  	[hbm4b:s2+s4] =	stream.indirect.scatter [tilespmem:s5], [sflag:$0x4], $0x80, s17, s4, $0xb8;
	[tilespmem:$0x1A000] =	vst v63  }
0x217: {  	_ = 	snop  }
0x218: {  	[hbm4b:s2+s4] =	stream.indirect.scatter [tilespmem:s6], [sflag:$0x4], $0x80, s19, s4, $0xb8;
	[tilespmem:$0x1A000] =	vst v63  }
0x219: {  	_ =	swait.ge [sflag:s9], $0x4000  }
0x21a: {  	[sflag:s9] =	ssyncset.done $0x0  }
0x21b: {  	[sflag:s9] =	ssyncadd.s32 $0xFFFFC000  }
0x21c: {  	_ =	swait.ge [sflag:s9], $0x4000  }
0x21d: {  	[sflag:s9] =	ssyncset.done $0x0  }
0x21e: {  	p1 =	sne.s32 s1, $0x1;
	[sflag:s9] =	ssyncadd.s32 $0xFFFFC000  }
.Ltmp2:
0x21f: {  	_ =	swait.ge [sflag:s7], $0x4000;
	(pc) =	sbr.rel @p1 .LBB2_4-.Ltmp2, $4  }
0x220: {  	[sflag:s7] =	ssyncset.done $0x0  }
0x221: {  	[sflag:s7] =	ssyncadd.s32 $0xFFFFC000  }
0x222: {  	_ =	swait.ge [sflag:s7], $0x4000  }
0x223: {  	s1 =	sadd.s32 $0xFFFFFFFF, s1;
	s0 =	rddreg [dreg:$0x4];
	[sflag:s7] =	ssyncset.done $0x0  }
0x224: {  	s19 =	simm.s32 $0x1980;
	s28 =	simm.s32 $0xB80  }
0x225: {  	s26 =	simm.s32 $0xB00;
	s25 =	simm.s32 $0x1A80;
	s24 =	simm.s32 $0x1A00  }
0x226: {  	s23 =	simm.s32 $0xC80;
	s22 =	simm.s32 $0xC00;
	s21 =	simm.s32 $0x1B80  }
0x227: {  	s20 =	simm.s32 $0x1B00;
	s17 =	simm.s32 $0x1C00;
	s16 =	stileid.u32  }
.LBB2_6:
0x228: {  	[sflag:s7] =	ssyncadd.s32 @p0 $0xFFFFC000  }
0x229: {  	[tilespmem:s29], [sflag:$0x7] =	stream.linear.gather [hbm4b:s0+s29], $0xD00, $0x38;
	[tilespmem:$0x1A000] =	vst v63  }
0x22a: {  	_ =	swait.ge [sflag:s31], $0xD00  }
0x22b: {  	[sflag:s31] =	ssyncset.done $0x0  }
0x22c: {  	s1 =	rddreg [dreg:$0x5];
	[sflag:s31] =	ssyncadd.s32 $0xFFFFF300  }
0x22d: {  	[tilespmem:s30], [sflag:$0x7] =	stream.linear.gather [hbm4b:s1+s29], $0xD00, $0x38;
	[tilespmem:$0x1A000] =	vst v63  }
0x22e: {  	_ =	swait.ge [sflag:s31], $0xD00  }
0x22f: {  	[sflag:s31] =	ssyncset.done $0x0  }
0x230: {  	[sflag:s31] =	ssyncadd.s32 $0xFFFFF300  }
0x231: {  	[tilespmem:s5], [sflag:$0x1] =	stream.indirect.gather [hbm4b:s3+s4], $0x80, s29, s4, $0xb8;
	[tilespmem:$0x1A000] =	vst v63  }
0x232: {  	_ = 	snop  }
0x233: {  	[tilespmem:s6], [sflag:$0x1] =	stream.indirect.gather [hbm4b:s3+s4], $0x80, s4, s4, $0xb8;
	[tilespmem:$0x1A000] =	vst v63  }
0x234: {  	s31 =	rddreg [dreg:$0x6]  }
0x235: {  	[tilespmem:s12], [sflag:$0x2] =	stream.indirect.gather [hbm4b:s3+s4], $0x80, s31, s4, $0xb8;
	[tilespmem:$0x1A000] =	vst v63  }
0x236: {  	s1 =	rddreg [dreg:$0x7]  }
0x237: {  	[tilespmem:s14], [sflag:$0x2] =	stream.indirect.gather [hbm4b:s3+s4], $0x80, s1, s4, $0xb8;
	[tilespmem:$0x1A000] =	vst v63  }
0x238: {  	_ =	swait.ge [sflag:s8], $0x4000  }
0x239: {  	[sflag:s8] =	ssyncset.done $0x0  }
0x23a: {  	[sflag:s8] =	ssyncadd.s32 $0xFFFFC000  }
0x23b: {  	_ =	swait.ge [sflag:s8], $0x4000  }
0x23c: {  	[sflag:s8] =	ssyncset.done $0x0  }
0x23d: {  	[sflag:s8] =	ssyncadd.s32 $0xFFFFC000  }
0x23e: {  	[hbm4b:s2+s4] =	stream.indirect.scatter [tilespmem:s5], [sflag:$0x4], $0x80, s30, s4, $0xb8;
	[tilespmem:$0x1A000] =	vst v63  }
0x23f: {  	s29 =	rddreg [dreg:$0x8]  }
0x240: {  	[hbm4b:s2+s4] =	stream.indirect.scatter [tilespmem:s6], [sflag:$0x4], $0x80, s29, s4, $0xb8;
	[tilespmem:$0x1A000] =	vst v63  }
0x241: {  	s31 =	rddreg [dreg:$0x9]  }
0x242: {  	[tilespmem:s10], [sflag:$0x3] =	stream.indirect.gather [hbm4b:s3+s4], $0x80, s31, s4, $0xb8;
	[tilespmem:$0x1A000] =	vst v63  }
0x243: {  	s29 =	rddreg [dreg:$0xa]  }
0x244: {  	[tilespmem:s11], [sflag:$0x3] =	stream.indirect.gather [hbm4b:s3+s4], $0x80, s29, s4, $0xb8;
	[tilespmem:$0x1A000] =	vst v63  }
0x245: {  	_ =	swait.ge [sflag:s18], $0x4000  }
0x246: {  	[sflag:s18] =	ssyncset.done $0x0  }
0x247: {  	[sflag:s18] =	ssyncadd.s32 $0xFFFFC000  }
0x248: {  	_ =	swait.ge [sflag:s18], $0x4000  }
0x249: {  	[sflag:s18] =	ssyncset.done $0x0  }
0x24a: {  	s30 =	rddreg [dreg:$0xb];
	[sflag:s18] =	ssyncadd.s32 $0xFFFFC000  }
0x24b: {  	[hbm4b:s2+s4] =	stream.indirect.scatter [tilespmem:s12], [sflag:$0x5], $0x80, s30, s4, $0xb8;
	[tilespmem:$0x1A000] =	vst v63  }
0x24c: {  	s31 =	rddreg [dreg:$0xc]  }
0x24d: {  	[hbm4b:s2+s4] =	stream.indirect.scatter [tilespmem:s14], [sflag:$0x5], $0x80, s31, s4, $0xb8;
	[tilespmem:$0x1A000] =	vst v63  }
0x24e: {  	_ =	swait.ge [sflag:s7], $0x4000  }
0x24f: {  	[sflag:s7] =	ssyncset.done $0x0  }
0x250: {  	[sflag:s7] =	ssyncadd.s32 $0xFFFFC000  }
0x251: {  	_ =	swait.ge [sflag:s7], $0x4000  }
0x252: {  	[sflag:s7] =	ssyncset.done $0x0  }
0x253: {  	s1 =	rddreg [dreg:$0xd];
	[sflag:s7] =	ssyncadd.s32 $0xFFFFC000  }
0x254: {  	[tilespmem:s5], [sflag:$0x1] =	stream.indirect.gather [hbm4b:s3+s4], $0x80, s1, s4, $0xb8;
	[tilespmem:$0x1A000] =	vst v63  }
0x255: {  	s29 =	rddreg [dreg:$0xe]  }
0x256: {  	[tilespmem:s6], [sflag:$0x1] =	stream.indirect.gather [hbm4b:s3+s4], $0x80, s29, s4, $0xb8;
	[tilespmem:$0x1A000] =	vst v63  }
0x257: {  	_ =	swait.ge [sflag:s15], $0x4000  }
0x258: {  	[sflag:s15] =	ssyncset.done $0x0  }
0x259: {  	[sflag:s15] =	ssyncadd.s32 $0xFFFFC000  }
0x25a: {  	_ =	swait.ge [sflag:s15], $0x4000  }
0x25b: {  	[sflag:s15] =	ssyncset.done $0x0  }
0x25c: {  	s30 =	rddreg [dreg:$0xf];
	[sflag:s15] =	ssyncadd.s32 $0xFFFFC000  }
0x25d: {  	[hbm4b:s2+s4] =	stream.indirect.scatter [tilespmem:s10], [sflag:$0x6], $0x80, s30, s4, $0xb8;
	[tilespmem:$0x1A000] =	vst v63  }
0x25e: {  	s31 =	rddreg [dreg:$0x10]  }
0x25f: {  	[hbm4b:s2+s4] =	stream.indirect.scatter [tilespmem:s11], [sflag:$0x6], $0x80, s31, s4, $0xb8;
	[tilespmem:$0x1A000] =	vst v63  }
0x260: {  	_ =	swait.ge [sflag:s13], $0x4000  }
0x261: {  	[sflag:s13] =	ssyncset.done $0x0  }
0x262: {  	[sflag:s13] =	ssyncadd.s32 $0xFFFFC000  }
0x263: {  	_ =	swait.ge [sflag:s13], $0x4000  }
0x264: {  	[sflag:s13] =	ssyncset.done $0x0  }
0x265: {  	s1 =	rddreg [dreg:$0x11];
	[sflag:s13] =	ssyncadd.s32 $0xFFFFC000  }
0x266: {  	[tilespmem:s12], [sflag:$0x2] =	stream.indirect.gather [hbm4b:s3+s4], $0x80, s1, s4, $0xb8;
	[tilespmem:$0x1A000] =	vst v63  }
0x267: {  	s29 =	rddreg [dreg:$0x12]  }
0x268: {  	[tilespmem:s14], [sflag:$0x2] =	stream.indirect.gather [hbm4b:s3+s4], $0x80, s29, s4, $0xb8;
	[tilespmem:$0x1A000] =	vst v63  }
0x269: {  	_ =	swait.ge [sflag:s8], $0x4000  }
0x26a: {  	[sflag:s8] =	ssyncset.done $0x0  }
0x26b: {  	[sflag:s8] =	ssyncadd.s32 $0xFFFFC000  }
0x26c: {  	_ =	swait.ge [sflag:s8], $0x4000  }
0x26d: {  	[sflag:s8] =	ssyncset.done $0x0  }
0x26e: {  	s30 =	rddreg [dreg:$0x13];
	[sflag:s8] =	ssyncadd.s32 $0xFFFFC000  }
0x26f: {  	[hbm4b:s2+s4] =	stream.indirect.scatter [tilespmem:s5], [sflag:$0x4], $0x80, s30, s4, $0xb8;
	[tilespmem:$0x1A000] =	vst v63  }
0x270: {  	s31 =	rddreg [dreg:$0x14]  }
0x271: {  	[hbm4b:s2+s4] =	stream.indirect.scatter [tilespmem:s6], [sflag:$0x4], $0x80, s31, s4, $0xb8;
	[tilespmem:$0x1A000] =	vst v63  }
0x272: {  	_ =	swait.ge [sflag:s9], $0x4000  }
0x273: {  	[sflag:s9] =	ssyncset.done $0x0  }
0x274: {  	[sflag:s9] =	ssyncadd.s32 $0xFFFFC000  }
0x275: {  	_ =	swait.ge [sflag:s9], $0x4000  }
0x276: {  	[sflag:s9] =	ssyncset.done $0x0  }
0x277: {  	s1 =	rddreg [dreg:$0x15];
	[sflag:s9] =	ssyncadd.s32 $0xFFFFC000  }
0x278: {  	[tilespmem:s10], [sflag:$0x3] =	stream.indirect.gather [hbm4b:s3+s4], $0x80, s1, s4, $0xb8;
	[tilespmem:$0x1A000] =	vst v63  }
0x279: {  	s29 =	rddreg [dreg:$0x16]  }
0x27a: {  	[tilespmem:s11], [sflag:$0x3] =	stream.indirect.gather [hbm4b:s3+s4], $0x80, s29, s4, $0xb8;
	[tilespmem:$0x1A000] =	vst v63  }
0x27b: {  	_ =	swait.ge [sflag:s18], $0x4000  }
0x27c: {  	[sflag:s18] =	ssyncset.done $0x0  }
0x27d: {  	[sflag:s18] =	ssyncadd.s32 $0xFFFFC000  }
0x27e: {  	_ =	swait.ge [sflag:s18], $0x4000  }
0x27f: {  	[sflag:s18] =	ssyncset.done $0x0  }
0x280: {  	s30 =	rddreg [dreg:$0x17];
	[sflag:s18] =	ssyncadd.s32 $0xFFFFC000  }
0x281: {  	[hbm4b:s2+s4] =	stream.indirect.scatter [tilespmem:s12], [sflag:$0x5], $0x80, s30, s4, $0xb8;
	[tilespmem:$0x1A000] =	vst v63  }
0x282: {  	s31 =	rddreg [dreg:$0x18]  }
0x283: {  	[hbm4b:s2+s4] =	stream.indirect.scatter [tilespmem:s14], [sflag:$0x5], $0x80, s31, s4, $0xb8;
	[tilespmem:$0x1A000] =	vst v63  }
0x284: {  	_ =	swait.ge [sflag:s7], $0x4000  }
0x285: {  	[sflag:s7] =	ssyncset.done $0x0  }
0x286: {  	[sflag:s7] =	ssyncadd.s32 $0xFFFFC000  }
0x287: {  	_ =	swait.ge [sflag:s7], $0x4000  }
0x288: {  	[sflag:s7] =	ssyncset.done $0x0  }
0x289: {  	s1 =	rddreg [dreg:$0x19];
	[sflag:s7] =	ssyncadd.s32 $0xFFFFC000  }
0x28a: {  	[tilespmem:s5], [sflag:$0x1] =	stream.indirect.gather [hbm4b:s3+s4], $0x80, s1, s4, $0xb8;
	[tilespmem:$0x1A000] =	vst v63  }
0x28b: {  	s29 =	rddreg [dreg:$0x1a]  }
0x28c: {  	[tilespmem:s6], [sflag:$0x1] =	stream.indirect.gather [hbm4b:s3+s4], $0x80, s29, s4, $0xb8;
	[tilespmem:$0x1A000] =	vst v63  }
0x28d: {  	_ =	swait.ge [sflag:s15], $0x4000  }
0x28e: {  	[sflag:s15] =	ssyncset.done $0x0  }
0x28f: {  	[sflag:s15] =	ssyncadd.s32 $0xFFFFC000  }
0x290: {  	_ =	swait.ge [sflag:s15], $0x4000  }
0x291: {  	[sflag:s15] =	ssyncset.done $0x0  }
0x292: {  	s30 =	rddreg [dreg:$0x1b];
	[sflag:s15] =	ssyncadd.s32 $0xFFFFC000  }
0x293: {  	[hbm4b:s2+s4] =	stream.indirect.scatter [tilespmem:s10], [sflag:$0x6], $0x80, s30, s4, $0xb8;
	[tilespmem:$0x1A000] =	vst v63  }
0x294: {  	s31 =	rddreg [dreg:$0x1c]  }
0x295: {  	[hbm4b:s2+s4] =	stream.indirect.scatter [tilespmem:s11], [sflag:$0x6], $0x80, s31, s4, $0xb8;
	[tilespmem:$0x1A000] =	vst v63  }
0x296: {  	_ =	swait.ge [sflag:s13], $0x4000  }
0x297: {  	[sflag:s13] =	ssyncset.done $0x0  }
0x298: {  	[sflag:s13] =	ssyncadd.s32 $0xFFFFC000  }
0x299: {  	_ =	swait.ge [sflag:s13], $0x4000  }
0x29a: {  	[sflag:s13] =	ssyncset.done $0x0  }
0x29b: {  	s1 =	rddreg [dreg:$0x1d];
	[sflag:s13] =	ssyncadd.s32 $0xFFFFC000  }
0x29c: {  	[tilespmem:s12], [sflag:$0x2] =	stream.indirect.gather [hbm4b:s3+s4], $0x80, s1, s4, $0xb8;
	[tilespmem:$0x1A000] =	vst v63  }
0x29d: {  	s29 =	rddreg [dreg:$0x1e]  }
0x29e: {  	[tilespmem:s14], [sflag:$0x2] =	stream.indirect.gather [hbm4b:s3+s4], $0x80, s29, s4, $0xb8;
	[tilespmem:$0x1A000] =	vst v63  }
0x29f: {  	_ =	swait.ge [sflag:s8], $0x4000  }
0x2a0: {  	[sflag:s8] =	ssyncset.done $0x0  }
0x2a1: {  	[sflag:s8] =	ssyncadd.s32 $0xFFFFC000  }
0x2a2: {  	_ =	swait.ge [sflag:s8], $0x4000  }
0x2a3: {  	s30 =	rddreg [dreg:$0x1f];
	[sflag:s8] =	ssyncset.done $0x0  }
0x2a4: {  	s31 =	sld [smem:$0x7F2];
	[sflag:s8] =	ssyncadd.s32 $0xFFFFC000  }
0x2a5: {  	[hbm4b:s2+s4] =	stream.indirect.scatter [tilespmem:s5], [sflag:$0x4], $0x80, s30, s4, $0xb8;
	[tilespmem:$0x1A000] =	vst v63  }
0x2a6: {  	_ = 	snop  }
0x2a7: {  	[hbm4b:s2+s4] =	stream.indirect.scatter [tilespmem:s6], [sflag:$0x4], $0x80, s31, s4, $0xb8;
	[tilespmem:$0x1A000] =	vst v63  }
0x2a8: {  	_ =	swait.ge [sflag:s9], $0x4000  }
0x2a9: {  	[sflag:s9] =	ssyncset.done $0x0  }
0x2aa: {  	[sflag:s9] =	ssyncadd.s32 $0xFFFFC000  }
0x2ab: {  	_ =	swait.ge [sflag:s9], $0x4000  }
0x2ac: {  	s1 =	sld [smem:$0x7F3]  }
0x2ad: {  	[sflag:s9] =	ssyncset.done $0x0  }
0x2ae: {  	s29 =	sld [smem:$0x7F4];
	[sflag:s9] =	ssyncadd.s32 $0xFFFFC000  }
0x2af: {  	[tilespmem:s10], [sflag:$0x3] =	stream.indirect.gather [hbm4b:s3+s4], $0x80, s1, s4, $0xb8;
	[tilespmem:$0x1A000] =	vst v63  }
0x2b0: {  	_ = 	snop  }
0x2b1: {  	[tilespmem:s11], [sflag:$0x3] =	stream.indirect.gather [hbm4b:s3+s4], $0x80, s29, s4, $0xb8;
	[tilespmem:$0x1A000] =	vst v63  }
0x2b2: {  	_ =	swait.ge [sflag:s18], $0x4000  }
0x2b3: {  	[sflag:s18] =	ssyncset.done $0x0  }
0x2b4: {  	[sflag:s18] =	ssyncadd.s32 $0xFFFFC000  }
0x2b5: {  	_ =	swait.ge [sflag:s18], $0x4000  }
0x2b6: {  	s30 =	sld [smem:$0x7F5]  }
0x2b7: {  	[sflag:s18] =	ssyncset.done $0x0  }
0x2b8: {  	s31 =	sld [smem:$0x7F6];
	[sflag:s18] =	ssyncadd.s32 $0xFFFFC000  }
0x2b9: {  	[hbm4b:s2+s4] =	stream.indirect.scatter [tilespmem:s12], [sflag:$0x5], $0x80, s30, s4, $0xb8;
	[tilespmem:$0x1A000] =	vst v63  }
0x2ba: {  	_ = 	snop  }
0x2bb: {  	[hbm4b:s2+s4] =	stream.indirect.scatter [tilespmem:s14], [sflag:$0x5], $0x80, s31, s4, $0xb8;
	[tilespmem:$0x1A000] =	vst v63  }
0x2bc: {  	_ =	swait.ge [sflag:s7], $0x4000  }
0x2bd: {  	[sflag:s7] =	ssyncset.done $0x0  }
0x2be: {  	[sflag:s7] =	ssyncadd.s32 $0xFFFFC000  }
0x2bf: {  	_ =	swait.ge [sflag:s7], $0x4000  }
0x2c0: {  	s1 =	sld [smem:$0x7F7]  }
0x2c1: {  	[sflag:s7] =	ssyncset.done $0x0  }
0x2c2: {  	s29 =	sld [smem:$0x7F8];
	[sflag:s7] =	ssyncadd.s32 $0xFFFFC000  }
0x2c3: {  	[tilespmem:s5], [sflag:$0x1] =	stream.indirect.gather [hbm4b:s3+s4], $0x80, s1, s4, $0xb8;
	[tilespmem:$0x1A000] =	vst v63  }
0x2c4: {  	_ = 	snop  }
0x2c5: {  	[tilespmem:s6], [sflag:$0x1] =	stream.indirect.gather [hbm4b:s3+s4], $0x80, s29, s4, $0xb8;
	[tilespmem:$0x1A000] =	vst v63  }
0x2c6: {  	_ =	swait.ge [sflag:s15], $0x4000  }
0x2c7: {  	[sflag:s15] =	ssyncset.done $0x0  }
0x2c8: {  	[sflag:s15] =	ssyncadd.s32 $0xFFFFC000  }
0x2c9: {  	_ =	swait.ge [sflag:s15], $0x4000  }
0x2ca: {  	s30 =	sld [smem:$0x7F9]  }
0x2cb: {  	[sflag:s15] =	ssyncset.done $0x0  }
0x2cc: {  	s31 =	sld [smem:$0x7FA];
	[sflag:s15] =	ssyncadd.s32 $0xFFFFC000  }
0x2cd: {  	[hbm4b:s2+s4] =	stream.indirect.scatter [tilespmem:s10], [sflag:$0x6], $0x80, s30, s4, $0xb8;
	[tilespmem:$0x1A000] =	vst v63  }
0x2ce: {  	_ = 	snop  }
0x2cf: {  	[hbm4b:s2+s4] =	stream.indirect.scatter [tilespmem:s11], [sflag:$0x6], $0x80, s31, s4, $0xb8;
	[tilespmem:$0x1A000] =	vst v63  }
0x2d0: {  	_ =	swait.ge [sflag:s13], $0x4000  }
0x2d1: {  	[sflag:s13] =	ssyncset.done $0x0  }
0x2d2: {  	[sflag:s13] =	ssyncadd.s32 $0xFFFFC000  }
0x2d3: {  	_ =	swait.ge [sflag:s13], $0x4000  }
0x2d4: {  	s1 =	sld [smem:$0x7FB]  }
0x2d5: {  	[sflag:s13] =	ssyncset.done $0x0  }
0x2d6: {  	s29 =	sld [smem:$0x7FC];
	[sflag:s13] =	ssyncadd.s32 $0xFFFFC000  }
0x2d7: {  	[tilespmem:s12], [sflag:$0x2] =	stream.indirect.gather [hbm4b:s3+s4], $0x80, s1, s4, $0xb8;
	[tilespmem:$0x1A000] =	vst v63  }
0x2d8: {  	_ = 	snop  }
0x2d9: {  	[tilespmem:s14], [sflag:$0x2] =	stream.indirect.gather [hbm4b:s3+s4], $0x80, s29, s4, $0xb8;
	[tilespmem:$0x1A000] =	vst v63  }
0x2da: {  	_ =	swait.ge [sflag:s8], $0x4000  }
0x2db: {  	[sflag:s8] =	ssyncset.done $0x0  }
0x2dc: {  	[sflag:s8] =	ssyncadd.s32 $0xFFFFC000  }
0x2dd: {  	_ =	swait.ge [sflag:s8], $0x4000  }
0x2de: {  	s30 =	sld [smem:$0x7FD]  }
0x2df: {  	[sflag:s8] =	ssyncset.done $0x0  }
0x2e0: {  	[sflag:s8] =	ssyncadd.s32 $0xFFFFC000  }
0x2e1: {  	[hbm4b:s2+s4] =	stream.indirect.scatter [tilespmem:s5], [sflag:$0x4], $0x80, s30, s4, $0xb8;
	[tilespmem:$0x1A000] =	vst v63  }
0x2e2: {  	_ = 	snop  }
0x2e3: {  	[hbm4b:s2+s4] =	stream.indirect.scatter [tilespmem:s6], [sflag:$0x4], $0x80, s19, s4, $0xb8;
	[tilespmem:$0x1A000] =	vst v63  }
0x2e4: {  	_ =	swait.ge [sflag:s9], $0x4000  }
0x2e5: {  	[sflag:s9] =	ssyncset.done $0x0  }
0x2e6: {  	[sflag:s9] =	ssyncadd.s32 $0xFFFFC000  }
0x2e7: {  	_ =	swait.ge [sflag:s9], $0x4000  }
0x2e8: {  	[sflag:s9] =	ssyncset.done $0x0  }
0x2e9: {  	[sflag:s9] =	ssyncadd.s32 $0xFFFFC000  }
0x2ea: {  	[tilespmem:s10], [sflag:$0x3] =	stream.indirect.gather [hbm4b:s3+s4], $0x80, s26, s4, $0xb8;
	[tilespmem:$0x1A000] =	vst v63  }
0x2eb: {  	_ = 	snop  }
0x2ec: {  	[tilespmem:s11], [sflag:$0x3] =	stream.indirect.gather [hbm4b:s3+s4], $0x80, s28, s4, $0xb8;
	[tilespmem:$0x1A000] =	vst v63  }
0x2ed: {  	_ =	swait.ge [sflag:s18], $0x4000  }
0x2ee: {  	[sflag:s18] =	ssyncset.done $0x0  }
0x2ef: {  	[sflag:s18] =	ssyncadd.s32 $0xFFFFC000  }
0x2f0: {  	_ =	swait.ge [sflag:s18], $0x4000  }
0x2f1: {  	[sflag:s18] =	ssyncset.done $0x0  }
0x2f2: {  	[sflag:s18] =	ssyncadd.s32 $0xFFFFC000  }
0x2f3: {  	[hbm4b:s2+s4] =	stream.indirect.scatter [tilespmem:s12], [sflag:$0x5], $0x80, s24, s4, $0xb8;
	[tilespmem:$0x1A000] =	vst v63  }
0x2f4: {  	_ = 	snop  }
0x2f5: {  	[hbm4b:s2+s4] =	stream.indirect.scatter [tilespmem:s14], [sflag:$0x5], $0x80, s25, s4, $0xb8;
	[tilespmem:$0x1A000] =	vst v63  }
0x2f6: {  	_ =	swait.ge [sflag:s7], $0x4000  }
0x2f7: {  	[sflag:s7] =	ssyncset.done $0x0  }
0x2f8: {  	[sflag:s7] =	ssyncadd.s32 $0xFFFFC000  }
0x2f9: {  	_ =	swait.ge [sflag:s7], $0x4000  }
0x2fa: {  	[sflag:s7] =	ssyncset.done $0x0  }
0x2fb: {  	[sflag:s7] =	ssyncadd.s32 $0xFFFFC000  }
0x2fc: {  	[tilespmem:s5], [sflag:$0x1] =	stream.indirect.gather [hbm4b:s3+s4], $0x80, s22, s4, $0xb8;
	[tilespmem:$0x1A000] =	vst v63  }
0x2fd: {  	_ = 	snop  }
0x2fe: {  	[tilespmem:s6], [sflag:$0x1] =	stream.indirect.gather [hbm4b:s3+s4], $0x80, s23, s4, $0xb8;
	[tilespmem:$0x1A000] =	vst v63  }
0x2ff: {  	_ =	swait.ge [sflag:s15], $0x4000  }
0x300: {  	[sflag:s15] =	ssyncset.done $0x0  }
0x301: {  	[sflag:s15] =	ssyncadd.s32 $0xFFFFC000  }
0x302: {  	_ =	swait.ge [sflag:s15], $0x4000  }
0x303: {  	[sflag:s15] =	ssyncset.done $0x0  }
0x304: {  	[sflag:s15] =	ssyncadd.s32 $0xFFFFC000  }
0x305: {  	[hbm4b:s2+s4] =	stream.indirect.scatter [tilespmem:s10], [sflag:$0x6], $0x80, s20, s4, $0xb8;
	[tilespmem:$0x1A000] =	vst v63  }
0x306: {  	_ = 	snop  }
0x307: {  	[hbm4b:s2+s4] =	stream.indirect.scatter [tilespmem:s11], [sflag:$0x6], $0x80, s21, s4, $0xb8;
	[tilespmem:$0x1A000] =	vst v63  }
0x308: {  	_ =	swait.ge [sflag:s13], $0x4000  }
0x309: {  	[sflag:s13] =	ssyncset.done $0x0  }
0x30a: {  	[sflag:s13] =	ssyncadd.s32 $0xFFFFC000  }
0x30b: {  	_ =	swait.ge [sflag:s13], $0x4000  }
0x30c: {  	[sflag:s13] =	ssyncset.done $0x0  }
0x30d: {  	[sflag:s13] =	ssyncadd.s32 $0xFFFFC000  }
0x30e: {  	_ =	swait.ge [sflag:s8], $0x4000  }
0x30f: {  	[sflag:s8] =	ssyncset.done $0x0  }
0x310: {  	[sflag:s8] =	ssyncadd.s32 $0xFFFFC000  }
0x311: {  	_ =	swait.ge [sflag:s8], $0x4000  }
0x312: {  	[sflag:s8] =	ssyncset.done $0x0  }
0x313: {  	[sflag:s8] =	ssyncadd.s32 $0xFFFFC000  }
0x314: {  	[hbm4b:s2+s4] =	stream.indirect.scatter [tilespmem:s5], [sflag:$0x4], $0x80, s17, s4, $0xb8;
	[tilespmem:$0x1A000] =	vst v63  }
0x315: {  	s31 =	simm.s32 $0x1C80  }
0x316: {  	[hbm4b:s2+s4] =	stream.indirect.scatter [tilespmem:s6], [sflag:$0x4], $0x80, s31, s4, $0xb8;
	[tilespmem:$0x1A000] =	vst v63  }
0x317: {  	_ =	swait.ge [sflag:s9], $0x4000  }
0x318: {  	[sflag:s9] =	ssyncset.done $0x0  }
0x319: {  	[sflag:s9] =	ssyncadd.s32 $0xFFFFC000  }
0x31a: {  	_ =	swait.ge [sflag:s9], $0x4000  }
0x31b: {  	[sflag:s9] =	ssyncset.done $0x0  }
0x31c: {  	[sflag:s9] =	ssyncadd.s32 $0xFFFFC000  }
0x31d: {  	_ =	swait.ge [sflag:s7], $0x4000  }
0x31e: {  	[sflag:s7] =	ssyncset.done $0x0  }
0x31f: {  	[sflag:s7] =	ssyncadd.s32 $0xFFFFC000  }
0x320: {  	_ =	swait.ge [sflag:s7], $0x4000  }
0x321: {  	[sflag:s7] =	ssyncset.done $0x0  }
0x322: {  	[sflag:s7] =	ssyncadd.s32 $0xFFFFC000  }
0x323: {  	_ =	sfence.sel $0x180000  }
0x324: {  	[bflag:$0x0] =	sbarrier.arrive $0xFFFF  }
0x325: {  	_ =	strace $0x90000047  }
0x326: {  	[bflag:$0x2] =	sbarrier.arrive $0xFFFF  }
0x327: {  	p0 =	sne.s32 s16, $0x0;
	s0 =	rddreg [dreg:$0x3]  }
0x328: {  	s0 =	sadd.s32 @!p0 $0x100000, s0  }
0x329: {  	[sflag:s0] =	ssyncadd.tile.s32 @!p0 $0x1;
	_ =	shalt  }
.LBB2_1:
.Ltmp3:
0x32a: {  	(pc) =	sbr.rel .LBB2_6-.Ltmp3, $4  }
0x32b: {  	s19 =	simm.s32 $0x1980  }
0x32c: {  	s28 =	simm.s32 $0xB80;
	s26 =	simm.s32 $0xB00;
	s25 =	simm.s32 $0x1A80  }
0x32d: {  	s24 =	simm.s32 $0x1A00;
	s23 =	simm.s32 $0xC80;
	s22 =	simm.s32 $0xC00  }
0x32e: {  	s21 =	simm.s32 $0x1B80;
	s20 =	simm.s32 $0x1B00;
	s17 =	simm.s32 $0x1C00  }
.LBB2_3:
.Ltmp4:
0x32f: {  	(pc) =	sbr.rel .LBB2_6-.Ltmp4, $4  }
0x330: {  	s19 =	simm.s32 $0x1980;
	s28 =	simm.s32 $0xB80  }
0x331: {  	s26 =	simm.s32 $0xB00;
	s25 =	simm.s32 $0x1A80;
	s24 =	simm.s32 $0x1A00  }
0x332: {  	s23 =	simm.s32 $0xC80;
	s22 =	simm.s32 $0xC00;
	s21 =	simm.s32 $0x1B80  }
0x333: {  	s20 =	simm.s32 $0x1B00;
	s17 =	simm.s32 $0x1C00;
	s16 =	stileid.u32  }
.Lfunc_end2:
_tile_overlayer_lowered:
.L_overlay_start_2:
0x334: {  	(tag) =	ssettag $0x2  }
0x335: {  	s0 =	rddreg [dreg:$0x0];
	s2 =	stileid.u32  }
0x336: {  	s1 =	rddreg [dreg:$0x1];
	p0 =	sne.s32 s2, $0x0  }
0x337: {  	s3 =	rddreg [dreg:$0x2];
	[bflag:$0x3] =	sbarrier.arrive $0xFFFF;
	s2 =	simm.s32 @!p0 $0x1C07  }
0x338: {  	[timem:s3], [sflag:s2] =	dma.local @!p0 [hbm:s0], s1  }
0x339: {  	s0 =	simm.s32 @!p0 $0x7  }
0x33a: {  	_ =	swait.ge @!p0 [sflag:s0], s1  }
0x33b: {  	s1 =	ssub.s32 @!p0 $0x0, s1;
	[sflag:s0] =	ssyncset.done @!p0 $0x0  }
0x33c: {  	[sflag:s0] =	ssyncadd.s32 @!p0 s1  }
0x33d: {  	[bflag:$0x3] =	sbarrier.arrive $0xFFFF  }
0x33e: {  	_ =	shalt  }

</sc_bundles>
